<compile_context>
chip_gen: v7x
topology: tpu7x:2x2x1
jax: 0.10.2.dev20260603
libtpu: 0.0.44.dev20260713+nightly
codegen_flags: <defaults>
</compile_context>

<pallas_src>
import functools

import jax
import jax.numpy as jnp
from jax import lax
from jax.experimental import pallas as pl
from jax.experimental.pallas import tpu as pltpu
from jax.experimental.pallas import tpu_sc as plsc

NC = 2
NS = 16
NW = NC * NS
EB = 80
CH = 25
NBUF = 3
ZB = 80


def _sc_agg(src_hbm, dst_hbm, x_hbm, out_hbm, sidx, didx, rows, aggsh,
            *sems, n_nodes, nch):
    sg = sems[:NBUF]
    ss = sems[NBUF:]
    c = lax.axis_index("c")
    s = lax.axis_index("s")
    wid = c * NS + s

    d = rows.shape[2]
    zvec = jnp.zeros((16,), jnp.float32)

    @pl.loop(0, ZB)
    def _zero_row(r):
        for cc in range(d // 16):
            rows[0, r, pl.ds(cc * 16, 16)] = zvec

    @pl.loop(s, n_nodes // ZB, step=NS)
    def _zero_chunk(j):
        pltpu.sync_copy(rows.at[0, pl.ds(0, ZB)],
                        aggsh.at[pl.ds(j * ZB, ZB)])

    plsc.subcore_barrier()

    pd = NBUF - 1

    @pl.loop(0, nch)
    def _chunk(g):
        pltpu.sync_copy(src_hbm.at[wid, g], sidx)
        pltpu.sync_copy(dst_hbm.at[wid, g], didx)
        for b in range(pd):
            pltpu.async_copy(x_hbm.at[sidx.at[b]], rows.at[b], sg[b])

        @pl.loop(0, CH, step=NBUF)
        def _blk(j):
            def slot(u):
                b = u % NBUF
                bp = (u + pd) % NBUF
                k = j + u

                def body():
                    pltpu.make_async_copy(x_hbm.at[sidx.at[k]], rows.at[b],
                                          sg[b]).wait()
                    pltpu.async_copy(rows.at[b], aggsh.at[didx.at[k]], ss[b],
                                     add=True)

                    @pl.when(k + pd < CH)
                    def _prefetch():
                        def wait_prev():
                            pltpu.make_async_copy(
                                rows.at[bp], aggsh.at[didx.at[k - 1]],
                                ss[bp]).wait()

                        if u == 0:
                            pl.when(k > 0)(wait_prev)
                        else:
                            wait_prev()
                        pltpu.async_copy(x_hbm.at[sidx.at[k + pd]],
                                         rows.at[bp], sg[bp])

                if u == 0:
                    body()
                else:
                    pl.when(j + u < CH)(body)

            for u in range(NBUF):
                slot(u)

        for m in range(CH - NBUF, CH):
            pltpu.make_async_copy(rows.at[m % NBUF], aggsh.at[didx.at[m]],
                                  ss[m % NBUF]).wait()

    plsc.subcore_barrier()

    @pl.loop(s, n_nodes // ZB, step=NS)
    def _writeout(j):
        pltpu.sync_copy(aggsh.at[pl.ds(j * ZB, ZB)],
                        out_hbm.at[pl.ds(c * n_nodes + j * ZB, ZB)])


def _dense_body(x_ref, a_ref, w1_ref, b1_ref, w2_ref, b2_ref, wl_ref, bl_ref,
                o_ref):
    xb = x_ref[...]
    h = xb + a_ref[0] + a_ref[1]
    h = jnp.dot(h, w1_ref[...], preferred_element_type=jnp.float32)
    h = jnp.maximum(h + b1_ref[...], 0.0)
    o = jnp.dot(h, w2_ref[...], preferred_element_type=jnp.float32) + b2_ref[...]
    o = o + jnp.dot(xb, wl_ref[...], preferred_element_type=jnp.float32)
    o_ref[...] = o + bl_ref[...]


def kernel(x, edge_index, edge_weights, edge_attr, with_linear,
           W1, b1, W2, b2, Wlin, blin):
    n, d = x.shape
    e = edge_index.shape[1]
    blk = NW * EB
    nb = -(-e // blk)
    nch = -(-nb // CH)
    nb = nch * CH
    e_pad = nb * blk

    if e_pad == e:
        src, dst = edge_index[0], edge_index[1]
    else:
        src = jnp.concatenate(
            [edge_index[0], jnp.zeros((e_pad - e,), jnp.int32)])
        dst = jnp.concatenate(
            [edge_index[1], jnp.full((e_pad - e,), n, jnp.int32)])
    src = src.reshape(NW, nch, CH, EB)
    dst = dst.reshape(NW, nch, CH, EB)

    sc_call = pl.kernel(
        functools.partial(_sc_agg, n_nodes=n, nch=nch),
        out_type=jax.ShapeDtypeStruct((NC * n, d), jnp.float32),
        mesh=plsc.VectorSubcoreMesh(core_axis_name="c", subcore_axis_name="s",
                                    num_cores=NC, num_subcores=NS),
        scratch_types=[
            pltpu.VMEM((CH, EB), jnp.int32),
            pltpu.VMEM((CH, EB), jnp.int32),
            pltpu.VMEM((NBUF, EB, d), jnp.float32),
            pltpu.VMEM_SHARED((n + 8, d), jnp.float32),
        ] + [pltpu.SemaphoreType.DMA] * (2 * NBUF),
    )
    agg2 = sc_call(src, dst, x).reshape(NC, n, d)

    gate = jnp.where(jnp.asarray(with_linear) != 0, jnp.float32(1.0),
                     jnp.float32(0.0))
    wl = Wlin * gate
    bl = (blin * gate).reshape(1, d)
    b1r = b1.reshape(1, d)
    b2r = b2.reshape(1, d)

    bn = 2000
    grid = (n // bn,)
    out = pl.pallas_call(
        _dense_body,
        grid=grid,
        in_specs=[
            pl.BlockSpec((bn, d), lambda i: (i, 0)),
            pl.BlockSpec((NC, bn, d), lambda i: (0, i, 0)),
            pl.BlockSpec((d, d), lambda i: (0, 0)),
            pl.BlockSpec((1, d), lambda i: (0, 0)),
            pl.BlockSpec((d, d), lambda i: (0, 0)),
            pl.BlockSpec((1, d), lambda i: (0, 0)),
            pl.BlockSpec((d, d), lambda i: (0, 0)),
            pl.BlockSpec((1, d), lambda i: (0, 0)),
        ],
        out_specs=pl.BlockSpec((bn, d), lambda i: (i, 0)),
        out_shape=jax.ShapeDtypeStruct((n, d), jnp.float32),
    )(x, agg2, W1, b1r, W2, b2r, wl, bl)
    return out

# --- scband reference (transcript-rebuilt; emitter-appended) ---
"""Pipeline reference for scband-na-single-op-3959959847491 (READ-ONLY COPY).

The authoritative reference and input builder live on the scoring server;
editing this copy changes nothing except your own understanding.
"""

import jax, jax.numpy as jnp
import numpy as np

N = 10000
E = 320000
D = 128
D_EDGE = 4


def setup_inputs(seed: int = 0) -> dict:
    key = jax.random.key(seed)
    ks = jax.random.split(key, 10)
    x = jax.random.normal(ks[0], (N, D), dtype=jnp.float32)
    edge_index = jax.random.randint(ks[1], (2, E), 0, N, dtype=jnp.int32)
    edge_weights = jax.random.uniform(ks[2], (E,), dtype=jnp.float32)
    edge_attr = jax.random.normal(ks[3], (E, D_EDGE), dtype=jnp.float32)
    s = 1.0 / np.sqrt(D)
    # GIN MLP: Linear(in,out) -> ReLU -> Linear(out,out)
    W1 = jax.random.normal(ks[4], (D, D), dtype=jnp.float32) * s
    b1 = jnp.zeros((D,), dtype=jnp.float32)
    W2 = jax.random.normal(ks[5], (D, D), dtype=jnp.float32) * s
    b2 = jnp.zeros((D,), dtype=jnp.float32)
    # op_linear skip branch
    Wlin = jax.random.normal(ks[6], (D, D), dtype=jnp.float32) * s
    blin = jnp.zeros((D,), dtype=jnp.float32)
    return {
        "x": x,
        "edge_index": edge_index,
        "edge_weights": edge_weights,
        "edge_attr": edge_attr,
        "with_linear": 1,
        "W1": W1,
        "b1": b1,
        "W2": W2,
        "b2": b2,
        "Wlin": Wlin,
        "blin": blin,
    }


def reference(x, edge_index, edge_weights, edge_attr, with_linear, W1, b1, W2, b2, Wlin, blin):
    # NA_OPS['gin'] -> GINConv(Sequential(Linear, ReLU, Linear)); edge_weight/edge_attr
    # are accepted by the NaAggregator wrapper but ignored by GINConv.
    src = edge_index[0]
    dst = edge_index[1]
    # sum aggregation of neighbor messages x_j into node i (scatter-add)
    agg = jnp.zeros_like(x).at[dst].add(x[src])
    # (1 + eps) * x + agg, eps = 0 (GINConv default, train_eps=False)
    h = x + agg
    h = jax.nn.relu(jnp.dot(h, W1) + b1)
    out = jnp.dot(h, W2) + b2
    gate = jnp.where(with_linear != 0, jnp.float32(1.0), jnp.float32(0.0))
    out = out + gate * (jnp.dot(x, Wlin) + blin)
    return out

if __name__ == "__main__":
    import jax
    _d = setup_inputs()
    print(jax.jit(kernel)(*tuple(_d.values())))

</pallas_src>

<mosaic_0001>
#map = affine_map<(d0, d1) -> (0, 0, 0, 0)>
#map1 = affine_map<(d0, d1) -> (0, 0)>
module attributes {stable_mosaic.version = 14 : i64} {
  func.func @_sc_agg(%arg0: i32, %arg1: i32, %arg2: memref<32x5x25x80xi32, #tpu.memory_space<hbm>>, %arg3: memref<32x5x25x80xi32, #tpu.memory_space<hbm>>, %arg4: memref<10000x128xf32, #tpu.memory_space<hbm>>, %arg5: memref<20000x128xf32, #tpu.memory_space<hbm>>, %arg6: memref<25x80xi32, #tpu.memory_space<vmem>>, %arg7: memref<25x80xi32, #tpu.memory_space<vmem>>, %arg8: memref<3x80x128xf32, #tpu.memory_space<vmem>>, %arg9: memref<10008x128xf32, #tpu.memory_space<vmem_shared>>, %arg10: memref<!tpu.dma_semaphore, #tpu.memory_space<semaphore_mem>>, %arg11: memref<!tpu.dma_semaphore, #tpu.memory_space<semaphore_mem>>, %arg12: memref<!tpu.dma_semaphore, #tpu.memory_space<semaphore_mem>>, %arg13: memref<!tpu.dma_semaphore, #tpu.memory_space<semaphore_mem>>, %arg14: memref<!tpu.dma_semaphore, #tpu.memory_space<semaphore_mem>>, %arg15: memref<!tpu.dma_semaphore, #tpu.memory_space<semaphore_mem>>) attributes {dimension_semantics = [#tpu.dimension_semantics<core_parallel>, #tpu.dimension_semantics<subcore_parallel>], iteration_bounds = array<i64: 2, 16>, scalar_prefetch = 0 : i64, scratch_operands = 10 : i64, tpu.core_type = #tpu.core_type<sc_vector_subcore>, window_params = [{transform_indices = #map}, {transform_indices = #map}, {transform_indices = #map1}, {transform_indices = #map1}]} {
    %mul3A = arith.constant 16 : i32
    %mul3A_0 = arith.muli %arg0, %mul3A : i32
    %add3A = arith.addi %mul3A_0, %arg1 : i32
    %broadcast_in_dim3A = arith.constant 0.000000e+00 : f32
    %broadcast_in_dim3A_1 = vector.broadcast %broadcast_in_dim3A : f32 to vector<16xf32>
    %scan3A = arith.constant 0 : i32
    %scan3A_2 = arith.constant 80 : i32
    %scan3A_3 = arith.addi %scan3A, %scan3A_2 : i32
    %scan3A_4 = arith.constant 1 : i32
    scf.for %scan3A_45 = %scan3A to %scan3A_3 step %scan3A_4  : i32 {
      %mul3A_46 = arith.constant 1 : i32
      %mul3A_47 = arith.muli %scan3A_45, %mul3A_46 : i32
      %add3A_48 = arith.constant 0 : i32
      %add3A_49 = arith.addi %add3A_48, %mul3A_47 : i32
      %swap3A = arith.constant 0 : i32
      %swap3A_50 = arith.index_cast %swap3A : i32 to index
      %swap3A_51 = arith.index_cast %add3A_49 : i32 to index
      %swap3A_52 = arith.constant 0 : index
      %swap3A_53 = tpu.vector_load %arg8[%swap3A_50, %swap3A_51, %swap3A_52] {strides = array<i32>} : memref<3x80x128xf32, #tpu.memory_space<vmem>>, vector<1x1x16xf32>,
      %swap3A_54 = vector.shape_cast %swap3A_53 : vector<1x1x16xf32> to vector<16xf32>
      %swap3A_55 = vector.shape_cast %broadcast_in_dim3A_1 : vector<16xf32> to vector<1x1x16xf32>
      tpu.vector_store %arg8[%swap3A_50, %swap3A_51, %swap3A_52], %swap3A_55 {strides = array<i32>} : memref<3x80x128xf32, #tpu.memory_space<vmem>>, vector<1x1x16xf32>,
      %swap3A_56 = arith.constant 0 : i32
      %swap3A_57 = arith.index_cast %swap3A_56 : i32 to index
      %swap3A_58 = arith.index_cast %add3A_49 : i32 to index
      %swap3A_59 = arith.constant 16 : index
      %swap3A_60 = tpu.vector_load %arg8[%swap3A_57, %swap3A_58, %swap3A_59] {strides = array<i32>} : memref<3x80x128xf32, #tpu.memory_space<vmem>>, vector<1x1x16xf32>,
      %swap3A_61 = vector.shape_cast %swap3A_60 : vector<1x1x16xf32> to vector<16xf32>
      %swap3A_62 = vector.shape_cast %broadcast_in_dim3A_1 : vector<16xf32> to vector<1x1x16xf32>
      tpu.vector_store %arg8[%swap3A_57, %swap3A_58, %swap3A_59], %swap3A_62 {strides = array<i32>} : memref<3x80x128xf32, #tpu.memory_space<vmem>>, vector<1x1x16xf32>,
      %swap3A_63 = arith.constant 0 : i32
      %swap3A_64 = arith.index_cast %swap3A_63 : i32 to index
      %swap3A_65 = arith.index_cast %add3A_49 : i32 to index
      %swap3A_66 = arith.constant 32 : index
      %swap3A_67 = tpu.vector_load %arg8[%swap3A_64, %swap3A_65, %swap3A_66] {strides = array<i32>} : memref<3x80x128xf32, #tpu.memory_space<vmem>>, vector<1x1x16xf32>,
      %swap3A_68 = vector.shape_cast %swap3A_67 : vector<1x1x16xf32> to vector<16xf32>
      %swap3A_69 = vector.shape_cast %broadcast_in_dim3A_1 : vector<16xf32> to vector<1x1x16xf32>
      tpu.vector_store %arg8[%swap3A_64, %swap3A_65, %swap3A_66], %swap3A_69 {strides = array<i32>} : memref<3x80x128xf32, #tpu.memory_space<vmem>>, vector<1x1x16xf32>,
      %swap3A_70 = arith.constant 0 : i32
      %swap3A_71 = arith.index_cast %swap3A_70 : i32 to index
      %swap3A_72 = arith.index_cast %add3A_49 : i32 to index
      %swap3A_73 = arith.constant 48 : index
      %swap3A_74 = tpu.vector_load %arg8[%swap3A_71, %swap3A_72, %swap3A_73] {strides = array<i32>} : memref<3x80x128xf32, #tpu.memory_space<vmem>>, vector<1x1x16xf32>,
      %swap3A_75 = vector.shape_cast %swap3A_74 : vector<1x1x16xf32> to vector<16xf32>
      %swap3A_76 = vector.shape_cast %broadcast_in_dim3A_1 : vector<16xf32> to vector<1x1x16xf32>
      tpu.vector_store %arg8[%swap3A_71, %swap3A_72, %swap3A_73], %swap3A_76 {strides = array<i32>} : memref<3x80x128xf32, #tpu.memory_space<vmem>>, vector<1x1x16xf32>,
      %swap3A_77 = arith.constant 0 : i32
      %swap3A_78 = arith.index_cast %swap3A_77 : i32 to index
      %swap3A_79 = arith.index_cast %add3A_49 : i32 to index
      %swap3A_80 = arith.constant 64 : index
      %swap3A_81 = tpu.vector_load %arg8[%swap3A_78, %swap3A_79, %swap3A_80] {strides = array<i32>} : memref<3x80x128xf32, #tpu.memory_space<vmem>>, vector<1x1x16xf32>,
      %swap3A_82 = vector.shape_cast %swap3A_81 : vector<1x1x16xf32> to vector<16xf32>
      %swap3A_83 = vector.shape_cast %broadcast_in_dim3A_1 : vector<16xf32> to vector<1x1x16xf32>
      tpu.vector_store %arg8[%swap3A_78, %swap3A_79, %swap3A_80], %swap3A_83 {strides = array<i32>} : memref<3x80x128xf32, #tpu.memory_space<vmem>>, vector<1x1x16xf32>,
      %swap3A_84 = arith.constant 0 : i32
      %swap3A_85 = arith.index_cast %swap3A_84 : i32 to index
      %swap3A_86 = arith.index_cast %add3A_49 : i32 to index
      %swap3A_87 = arith.constant 80 : index
      %swap3A_88 = tpu.vector_load %arg8[%swap3A_85, %swap3A_86, %swap3A_87] {strides = array<i32>} : memref<3x80x128xf32, #tpu.memory_space<vmem>>, vector<1x1x16xf32>,
      %swap3A_89 = vector.shape_cast %swap3A_88 : vector<1x1x16xf32> to vector<16xf32>
      %swap3A_90 = vector.shape_cast %broadcast_in_dim3A_1 : vector<16xf32> to vector<1x1x16xf32>
      tpu.vector_store %arg8[%swap3A_85, %swap3A_86, %swap3A_87], %swap3A_90 {strides = array<i32>} : memref<3x80x128xf32, #tpu.memory_space<vmem>>, vector<1x1x16xf32>,
      %swap3A_91 = arith.constant 0 : i32
      %swap3A_92 = arith.index_cast %swap3A_91 : i32 to index
      %swap3A_93 = arith.index_cast %add3A_49 : i32 to index
      %swap3A_94 = arith.constant 96 : index
      %swap3A_95 = tpu.vector_load %arg8[%swap3A_92, %swap3A_93, %swap3A_94] {strides = array<i32>} : memref<3x80x128xf32, #tpu.memory_space<vmem>>, vector<1x1x16xf32>,
      %swap3A_96 = vector.shape_cast %swap3A_95 : vector<1x1x16xf32> to vector<16xf32>
      %swap3A_97 = vector.shape_cast %broadcast_in_dim3A_1 : vector<16xf32> to vector<1x1x16xf32>
      tpu.vector_store %arg8[%swap3A_92, %swap3A_93, %swap3A_94], %swap3A_97 {strides = array<i32>} : memref<3x80x128xf32, #tpu.memory_space<vmem>>, vector<1x1x16xf32>,
      %swap3A_98 = arith.constant 0 : i32
      %swap3A_99 = arith.index_cast %swap3A_98 : i32 to index
      %swap3A_100 = arith.index_cast %add3A_49 : i32 to index
      %swap3A_101 = arith.constant 112 : index
      %swap3A_102 = tpu.vector_load %arg8[%swap3A_99, %swap3A_100, %swap3A_101] {strides = array<i32>} : memref<3x80x128xf32, #tpu.memory_space<vmem>>, vector<1x1x16xf32>,
      %swap3A_103 = vector.shape_cast %swap3A_102 : vector<1x1x16xf32> to vector<16xf32>
      %swap3A_104 = vector.shape_cast %broadcast_in_dim3A_1 : vector<16xf32> to vector<1x1x16xf32>
      tpu.vector_store %arg8[%swap3A_99, %swap3A_100, %swap3A_101], %swap3A_104 {strides = array<i32>} : memref<3x80x128xf32, #tpu.memory_space<vmem>>, vector<1x1x16xf32>,
    }
    %scan3A_5 = arith.constant 80 : i32
    %sub3A = arith.constant 125 : i32
    %sub3A_6 = arith.subi %sub3A, %arg1 : i32
    %sub3A_7 = arith.constant 16 : i32
    %sub3A_8 = arith.constant 1 : i32
    %sub3A_9 = arith.subi %sub3A_7, %sub3A_8 : i32
    %add3A_10 = arith.addi %sub3A_6, %sub3A_9 : i32
    %div3A = arith.constant 16 : i32
    %div3A_11 = arith.divsi %add3A_10, %div3A : i32
    %while3A = arith.constant 16 : i32
    %while3A_12 = arith.constant 0 : i32
    %while3A_13 = arith.subi %div3A_11, %while3A_12 : i32
    %while3A_14 = arith.addi %while3A_12, %while3A_13 : i32
    %while3A_15 = arith.constant 1 : i32
    %while3A_16 = arith.divsi %while3A_13, %while3A_15 : i32
    %while3A_17 = arith.muli %while3A_16, %while3A_15 : i32
    %while3A_18 = arith.addi %while3A_12, %while3A_17 : i32
    %while3A_19 = arith.constant 1 : i32
    scf.for %while3A_45 = %while3A_12 to %while3A_18 step %while3A_19  : i32 {
      %mul3A_46 = arith.muli %while3A_45, %while3A : i32
      %add3A_47 = arith.addi %arg1, %mul3A_46 : i32
      %mul3A_48 = arith.constant 80 : i32
      %mul3A_49 = arith.muli %add3A_47, %mul3A_48 : i32
      %run_scoped3A = arith.constant 0 : i32
      "tpu.region"() ({
        %run_scoped3A_50 = tpu.sem_alloc : memref<!tpu.dma_semaphore, #tpu.memory_space<semaphore_mem>>
        %dma_start3A = arith.constant 0 : i32
        %dma_start3A_51 = arith.constant 0 : i32
        %dma_start3A_52 = tpu.memref_slice %arg8[%run_scoped3A, %dma_start3A, %dma_start3A_51] : memref<3x80x128xf32, #tpu.memory_space<vmem>> -> memref<1x80x128xf32, #tpu.memory_space<vmem>>
        %dma_start3A_53 = tpu.memref_squeeze %dma_start3A_52 : memref<1x80x128xf32, #tpu.memory_space<vmem>> -> memref<80x128xf32, #tpu.memory_space<vmem>>
        %dma_start3A_54 = arith.constant 0 : i32
        %dma_start3A_55 = tpu.memref_slice %arg9[%mul3A_49, %dma_start3A_54] : memref<10008x128xf32, #tpu.memory_space<vmem_shared>> -> memref<80x128xf32, #tpu.memory_space<vmem_shared>>
        %dma_start3A_56 = arith.constant 0 : i32
        %dma_start3A_57 = tpu.memref_slice %arg9[%mul3A_49, %dma_start3A_56] : memref<10008x128xf32, #tpu.memory_space<vmem_shared>> -> memref<80x128xf32, #tpu.memory_space<vmem_shared>>
        %dma_start3A_58 = arith.constant 0 : i32
        %dma_start3A_59 = arith.constant 0 : i32
        %dma_start3A_60 = tpu.memref_slice %arg8[%run_scoped3A, %dma_start3A_58, %dma_start3A_59] : memref<3x80x128xf32, #tpu.memory_space<vmem>> -> memref<1x80x128xf32, #tpu.memory_space<vmem>>
        %dma_start3A_61 = tpu.memref_squeeze %dma_start3A_60 : memref<1x80x128xf32, #tpu.memory_space<vmem>> -> memref<80x128xf32, #tpu.memory_space<vmem>>
        tpu.enqueue_dma source(%dma_start3A_61 : memref<80x128xf32, #tpu.memory_space<vmem>>) target(%dma_start3A_57 : memref<80x128xf32, #tpu.memory_space<vmem_shared>>) target_semaphore(%run_scoped3A_50 : memref<!tpu.dma_semaphore, #tpu.memory_space<semaphore_mem>>)
        %dma_wait3A = arith.constant 0 : i32
        %dma_wait3A_62 = arith.constant 0 : i32
        %dma_wait3A_63 = tpu.memref_slice %arg8[%run_scoped3A, %dma_wait3A, %dma_wait3A_62] : memref<3x80x128xf32, #tpu.memory_space<vmem>> -> memref<1x80x128xf32, #tpu.memory_space<vmem>>
        %dma_wait3A_64 = tpu.memref_squeeze %dma_wait3A_63 : memref<1x80x128xf32, #tpu.memory_space<vmem>> -> memref<80x128xf32, #tpu.memory_space<vmem>>
        %dma_wait3A_65 = arith.constant 0 : i32
        %dma_wait3A_66 = tpu.memref_slice %arg9[%mul3A_49, %dma_wait3A_65] : memref<10008x128xf32, #tpu.memory_space<vmem_shared>> -> memref<80x128xf32, #tpu.memory_space<vmem_shared>>
        %dma_wait3A_67 = arith.constant 0 : i32
        %dma_wait3A_68 = tpu.memref_slice %arg9[%mul3A_49, %dma_wait3A_67] : memref<10008x128xf32, #tpu.memory_space<vmem_shared>> -> memref<80x128xf32, #tpu.memory_space<vmem_shared>>
        %dma_wait3A_69 = arith.constant 0 : i32
        %dma_wait3A_70 = arith.constant 0 : i32
        %dma_wait3A_71 = tpu.memref_slice %arg8[%run_scoped3A, %dma_wait3A_69, %dma_wait3A_70] : memref<3x80x128xf32, #tpu.memory_space<vmem>> -> memref<1x80x128xf32, #tpu.memory_space<vmem>>
        %dma_wait3A_72 = tpu.memref_squeeze %dma_wait3A_71 : memref<1x80x128xf32, #tpu.memory_space<vmem>> -> memref<80x128xf32, #tpu.memory_space<vmem>>
        tpu.wait_dma2 semaphore(%run_scoped3A_50 : memref<!tpu.dma_semaphore, #tpu.memory_space<semaphore_mem>>) src(%dma_wait3A_72 : memref<80x128xf32, #tpu.memory_space<vmem>>) dst(%dma_wait3A_68 : memref<80x128xf32, #tpu.memory_space<vmem_shared>>)
        tpu.yield
      }) : () -> ()
    }
    %while3A_20 = arith.constant 1 : i32
    scf.for %while3A_45 = %while3A_18 to %while3A_14 step %while3A_20  : i32 {
      %mul3A_46 = arith.muli %while3A_45, %while3A : i32
      %add3A_47 = arith.addi %arg1, %mul3A_46 : i32
      %mul3A_48 = arith.constant 80 : i32
      %mul3A_49 = arith.muli %add3A_47, %mul3A_48 : i32
      %run_scoped3A = arith.constant 0 : i32
      "tpu.region"() ({
        %run_scoped3A_50 = tpu.sem_alloc : memref<!tpu.dma_semaphore, #tpu.memory_space<semaphore_mem>>
        %dma_start3A = arith.constant 0 : i32
        %dma_start3A_51 = arith.constant 0 : i32
        %dma_start3A_52 = tpu.memref_slice %arg8[%run_scoped3A, %dma_start3A, %dma_start3A_51] : memref<3x80x128xf32, #tpu.memory_space<vmem>> -> memref<1x80x128xf32, #tpu.memory_space<vmem>>
        %dma_start3A_53 = tpu.memref_squeeze %dma_start3A_52 : memref<1x80x128xf32, #tpu.memory_space<vmem>> -> memref<80x128xf32, #tpu.memory_space<vmem>>
        %dma_start3A_54 = arith.constant 0 : i32
        %dma_start3A_55 = tpu.memref_slice %arg9[%mul3A_49, %dma_start3A_54] : memref<10008x128xf32, #tpu.memory_space<vmem_shared>> -> memref<80x128xf32, #tpu.memory_space<vmem_shared>>
        %dma_start3A_56 = arith.constant 0 : i32
        %dma_start3A_57 = tpu.memref_slice %arg9[%mul3A_49, %dma_start3A_56] : memref<10008x128xf32, #tpu.memory_space<vmem_shared>> -> memref<80x128xf32, #tpu.memory_space<vmem_shared>>
        %dma_start3A_58 = arith.constant 0 : i32
        %dma_start3A_59 = arith.constant 0 : i32
        %dma_start3A_60 = tpu.memref_slice %arg8[%run_scoped3A, %dma_start3A_58, %dma_start3A_59] : memref<3x80x128xf32, #tpu.memory_space<vmem>> -> memref<1x80x128xf32, #tpu.memory_space<vmem>>
        %dma_start3A_61 = tpu.memref_squeeze %dma_start3A_60 : memref<1x80x128xf32, #tpu.memory_space<vmem>> -> memref<80x128xf32, #tpu.memory_space<vmem>>
        tpu.enqueue_dma source(%dma_start3A_61 : memref<80x128xf32, #tpu.memory_space<vmem>>) target(%dma_start3A_57 : memref<80x128xf32, #tpu.memory_space<vmem_shared>>) target_semaphore(%run_scoped3A_50 : memref<!tpu.dma_semaphore, #tpu.memory_space<semaphore_mem>>)
        %dma_wait3A = arith.constant 0 : i32
        %dma_wait3A_62 = arith.constant 0 : i32
        %dma_wait3A_63 = tpu.memref_slice %arg8[%run_scoped3A, %dma_wait3A, %dma_wait3A_62] : memref<3x80x128xf32, #tpu.memory_space<vmem>> -> memref<1x80x128xf32, #tpu.memory_space<vmem>>
        %dma_wait3A_64 = tpu.memref_squeeze %dma_wait3A_63 : memref<1x80x128xf32, #tpu.memory_space<vmem>> -> memref<80x128xf32, #tpu.memory_space<vmem>>
        %dma_wait3A_65 = arith.constant 0 : i32
        %dma_wait3A_66 = tpu.memref_slice %arg9[%mul3A_49, %dma_wait3A_65] : memref<10008x128xf32, #tpu.memory_space<vmem_shared>> -> memref<80x128xf32, #tpu.memory_space<vmem_shared>>
        %dma_wait3A_67 = arith.constant 0 : i32
        %dma_wait3A_68 = tpu.memref_slice %arg9[%mul3A_49, %dma_wait3A_67] : memref<10008x128xf32, #tpu.memory_space<vmem_shared>> -> memref<80x128xf32, #tpu.memory_space<vmem_shared>>
        %dma_wait3A_69 = arith.constant 0 : i32
        %dma_wait3A_70 = arith.constant 0 : i32
        %dma_wait3A_71 = tpu.memref_slice %arg8[%run_scoped3A, %dma_wait3A_69, %dma_wait3A_70] : memref<3x80x128xf32, #tpu.memory_space<vmem>> -> memref<1x80x128xf32, #tpu.memory_space<vmem>>
        %dma_wait3A_72 = tpu.memref_squeeze %dma_wait3A_71 : memref<1x80x128xf32, #tpu.memory_space<vmem>> -> memref<80x128xf32, #tpu.memory_space<vmem>>
        tpu.wait_dma2 semaphore(%run_scoped3A_50 : memref<!tpu.dma_semaphore, #tpu.memory_space<semaphore_mem>>) src(%dma_wait3A_72 : memref<80x128xf32, #tpu.memory_space<vmem>>) dst(%dma_wait3A_68 : memref<80x128xf32, #tpu.memory_space<vmem_shared>>)
        tpu.yield
      }) : () -> ()
    }
    %barrier3A = arith.constant 0 : index
    tpu.barrier barrier_id(%barrier3A)
    %scan3A_21 = arith.constant 0 : i32
    %scan3A_22 = arith.constant 5 : i32
    %scan3A_23 = arith.addi %scan3A_21, %scan3A_22 : i32
    %scan3A_24 = arith.constant 1 : i32
    scf.for %scan3A_45 = %scan3A_21 to %scan3A_23 step %scan3A_24  : i32 {
      %mul3A_46 = arith.constant 1 : i32
      %mul3A_47 = arith.muli %scan3A_45, %mul3A_46 : i32
      %add3A_48 = arith.constant 0 : i32
      %add3A_49 = arith.addi %add3A_48, %mul3A_47 : i32
      "tpu.region"() ({
        %run_scoped3A = tpu.sem_alloc : memref<!tpu.dma_semaphore, #tpu.memory_space<semaphore_mem>>
        %dma_start3A_113 = arith.constant 0 : i32
        %dma_start3A_114 = arith.constant 0 : i32
        %dma_start3A_115 = tpu.memref_slice %arg2[%add3A, %add3A_49, %dma_start3A_113, %dma_start3A_114] : memref<32x5x25x80xi32, #tpu.memory_space<hbm>> -> memref<1x1x25x80xi32, #tpu.memory_space<hbm>>
        %dma_start3A_116 = tpu.memref_squeeze %dma_start3A_115 : memref<1x1x25x80xi32, #tpu.memory_space<hbm>> -> memref<25x80xi32, #tpu.memory_space<hbm>>
        %dma_start3A_117 = arith.constant 0 : i32
        %dma_start3A_118 = arith.constant 0 : i32
        %dma_start3A_119 = tpu.memref_slice %arg2[%add3A, %add3A_49, %dma_start3A_117, %dma_start3A_118] : memref<32x5x25x80xi32, #tpu.memory_space<hbm>> -> memref<1x1x25x80xi32, #tpu.memory_space<hbm>>
        %dma_start3A_120 = tpu.memref_squeeze %dma_start3A_119 : memref<1x1x25x80xi32, #tpu.memory_space<hbm>> -> memref<25x80xi32, #tpu.memory_space<hbm>>
        tpu.enqueue_dma source(%dma_start3A_120 : memref<25x80xi32, #tpu.memory_space<hbm>>) target(%arg6 : memref<25x80xi32, #tpu.memory_space<vmem>>) target_semaphore(%run_scoped3A : memref<!tpu.dma_semaphore, #tpu.memory_space<semaphore_mem>>)
        %dma_wait3A_121 = arith.constant 0 : i32
        %dma_wait3A_122 = arith.constant 0 : i32
        %dma_wait3A_123 = tpu.memref_slice %arg2[%add3A, %add3A_49, %dma_wait3A_121, %dma_wait3A_122] : memref<32x5x25x80xi32, #tpu.memory_space<hbm>> -> memref<1x1x25x80xi32, #tpu.memory_space<hbm>>
        %dma_wait3A_124 = tpu.memref_squeeze %dma_wait3A_123 : memref<1x1x25x80xi32, #tpu.memory_space<hbm>> -> memref<25x80xi32, #tpu.memory_space<hbm>>
        %dma_wait3A_125 = arith.constant 0 : i32
        %dma_wait3A_126 = arith.constant 0 : i32
        %dma_wait3A_127 = tpu.memref_slice %arg2[%add3A, %add3A_49, %dma_wait3A_125, %dma_wait3A_126] : memref<32x5x25x80xi32, #tpu.memory_space<hbm>> -> memref<1x1x25x80xi32, #tpu.memory_space<hbm>>
        %dma_wait3A_128 = tpu.memref_squeeze %dma_wait3A_127 : memref<1x1x25x80xi32, #tpu.memory_space<hbm>> -> memref<25x80xi32, #tpu.memory_space<hbm>>
        tpu.wait_dma2 semaphore(%run_scoped3A : memref<!tpu.dma_semaphore, #tpu.memory_space<semaphore_mem>>) src(%dma_wait3A_128 : memref<25x80xi32, #tpu.memory_space<hbm>>) dst(%arg6 : memref<25x80xi32, #tpu.memory_space<vmem>>)
        tpu.yield
      }) : () -> ()
      "tpu.region"() ({
        %run_scoped3A = tpu.sem_alloc : memref<!tpu.dma_semaphore, #tpu.memory_space<semaphore_mem>>
        %dma_start3A_113 = arith.constant 0 : i32
        %dma_start3A_114 = arith.constant 0 : i32
        %dma_start3A_115 = tpu.memref_slice %arg3[%add3A, %add3A_49, %dma_start3A_113, %dma_start3A_114] : memref<32x5x25x80xi32, #tpu.memory_space<hbm>> -> memref<1x1x25x80xi32, #tpu.memory_space<hbm>>
        %dma_start3A_116 = tpu.memref_squeeze %dma_start3A_115 : memref<1x1x25x80xi32, #tpu.memory_space<hbm>> -> memref<25x80xi32, #tpu.memory_space<hbm>>
        %dma_start3A_117 = arith.constant 0 : i32
        %dma_start3A_118 = arith.constant 0 : i32
        %dma_start3A_119 = tpu.memref_slice %arg3[%add3A, %add3A_49, %dma_start3A_117, %dma_start3A_118] : memref<32x5x25x80xi32, #tpu.memory_space<hbm>> -> memref<1x1x25x80xi32, #tpu.memory_space<hbm>>
        %dma_start3A_120 = tpu.memref_squeeze %dma_start3A_119 : memref<1x1x25x80xi32, #tpu.memory_space<hbm>> -> memref<25x80xi32, #tpu.memory_space<hbm>>
        tpu.enqueue_dma source(%dma_start3A_120 : memref<25x80xi32, #tpu.memory_space<hbm>>) target(%arg7 : memref<25x80xi32, #tpu.memory_space<vmem>>) target_semaphore(%run_scoped3A : memref<!tpu.dma_semaphore, #tpu.memory_space<semaphore_mem>>)
        %dma_wait3A_121 = arith.constant 0 : i32
        %dma_wait3A_122 = arith.constant 0 : i32
        %dma_wait3A_123 = tpu.memref_slice %arg3[%add3A, %add3A_49, %dma_wait3A_121, %dma_wait3A_122] : memref<32x5x25x80xi32, #tpu.memory_space<hbm>> -> memref<1x1x25x80xi32, #tpu.memory_space<hbm>>
        %dma_wait3A_124 = tpu.memref_squeeze %dma_wait3A_123 : memref<1x1x25x80xi32, #tpu.memory_space<hbm>> -> memref<25x80xi32, #tpu.memory_space<hbm>>
        %dma_wait3A_125 = arith.constant 0 : i32
        %dma_wait3A_126 = arith.constant 0 : i32
        %dma_wait3A_127 = tpu.memref_slice %arg3[%add3A, %add3A_49, %dma_wait3A_125, %dma_wait3A_126] : memref<32x5x25x80xi32, #tpu.memory_space<hbm>> -> memref<1x1x25x80xi32, #tpu.memory_space<hbm>>
        %dma_wait3A_128 = tpu.memref_squeeze %dma_wait3A_127 : memref<1x1x25x80xi32, #tpu.memory_space<hbm>> -> memref<25x80xi32, #tpu.memory_space<hbm>>
        tpu.wait_dma2 semaphore(%run_scoped3A : memref<!tpu.dma_semaphore, #tpu.memory_space<semaphore_mem>>) src(%dma_wait3A_128 : memref<25x80xi32, #tpu.memory_space<hbm>>) dst(%arg7 : memref<25x80xi32, #tpu.memory_space<vmem>>)
        tpu.yield
      }) : () -> ()
      %dma_start3A = arith.constant 0 : i32
      %dma_start3A_50 = arith.constant 0 : i32
      %dma_start3A_51 = arith.constant 0 : i32
      %dma_start3A_52 = arith.constant 0 : i32
      %dma_start3A_53 = tpu.memref_slice %arg8[%dma_start3A_50, %dma_start3A_51, %dma_start3A_52] : memref<3x80x128xf32, #tpu.memory_space<vmem>> -> memref<1x80x128xf32, #tpu.memory_space<vmem>>
      %dma_start3A_54 = tpu.memref_squeeze %dma_start3A_53 : memref<1x80x128xf32, #tpu.memory_space<vmem>> -> memref<80x128xf32, #tpu.memory_space<vmem>>
      %dma_start3A_55 = arith.constant 0 : i32
      %dma_start3A_56 = tpu.memref_slice %arg6[%dma_start3A, %dma_start3A_55] : memref<25x80xi32, #tpu.memory_space<vmem>> -> memref<1x80xi32, #tpu.memory_space<vmem>>
      %dma_start3A_57 = tpu.memref_squeeze %dma_start3A_56 : memref<1x80xi32, #tpu.memory_space<vmem>> -> memref<80xi32, #tpu.memory_space<vmem>>
      %dma_start3A_58 = arith.constant 0 : i32
      %dma_start3A_59 = arith.constant 0 : i32
      %dma_start3A_60 = tpu.memref_slice %arg4[%dma_start3A_58, %dma_start3A_59] : memref<10000x128xf32, #tpu.memory_space<hbm>> -> memref<10000x128xf32, #tpu.memory_space<hbm>>
      tpu.enqueue_indirect_dma source(%dma_start3A_60 : memref<10000x128xf32, #tpu.memory_space<hbm>>) target(%dma_start3A_54 : memref<80x128xf32, #tpu.memory_space<vmem>>) offsets(%dma_start3A_57 : memref<80xi32, #tpu.memory_space<vmem>>) semaphore(%arg10 : memref<!tpu.dma_semaphore, #tpu.memory_space<semaphore_mem>>)
      %dma_start3A_61 = arith.constant 1 : i32
      %dma_start3A_62 = arith.constant 1 : i32
      %dma_start3A_63 = arith.constant 0 : i32
      %dma_start3A_64 = arith.constant 0 : i32
      %dma_start3A_65 = tpu.memref_slice %arg8[%dma_start3A_62, %dma_start3A_63, %dma_start3A_64] : memref<3x80x128xf32, #tpu.memory_space<vmem>> -> memref<1x80x128xf32, #tpu.memory_space<vmem>>
      %dma_start3A_66 = tpu.memref_squeeze %dma_start3A_65 : memref<1x80x128xf32, #tpu.memory_space<vmem>> -> memref<80x128xf32, #tpu.memory_space<vmem>>
      %dma_start3A_67 = arith.constant 0 : i32
      %dma_start3A_68 = tpu.memref_slice %arg6[%dma_start3A_61, %dma_start3A_67] : memref<25x80xi32, #tpu.memory_space<vmem>> -> memref<1x80xi32, #tpu.memory_space<vmem>>
      %dma_start3A_69 = tpu.memref_squeeze %dma_start3A_68 : memref<1x80xi32, #tpu.memory_space<vmem>> -> memref<80xi32, #tpu.memory_space<vmem>>
      %dma_start3A_70 = arith.constant 0 : i32
      %dma_start3A_71 = arith.constant 0 : i32
      %dma_start3A_72 = tpu.memref_slice %arg4[%dma_start3A_70, %dma_start3A_71] : memref<10000x128xf32, #tpu.memory_space<hbm>> -> memref<10000x128xf32, #tpu.memory_space<hbm>>
      tpu.enqueue_indirect_dma source(%dma_start3A_72 : memref<10000x128xf32, #tpu.memory_space<hbm>>) target(%dma_start3A_66 : memref<80x128xf32, #tpu.memory_space<vmem>>) offsets(%dma_start3A_69 : memref<80xi32, #tpu.memory_space<vmem>>) semaphore(%arg11 : memref<!tpu.dma_semaphore, #tpu.memory_space<semaphore_mem>>)
      %scan3A_73 = arith.constant 0 : i32
      %scan3A_74 = arith.constant 9 : i32
      %scan3A_75 = arith.addi %scan3A_73, %scan3A_74 : i32
      %scan3A_76 = arith.constant 1 : i32
      scf.for %scan3A_113 = %scan3A_73 to %scan3A_75 step %scan3A_76  : i32 {
        %mul3A_114 = arith.constant 3 : i32
        %mul3A_115 = arith.muli %scan3A_113, %mul3A_114 : i32
        %add3A_116 = arith.constant 0 : i32
        %add3A_117 = arith.addi %add3A_116, %mul3A_115 : i32
        %add3A_118 = arith.constant 0 : i32
        %add3A_119 = arith.addi %add3A_117, %add3A_118 : i32
        %dma_wait3A_120 = arith.constant 0 : i32
        %dma_wait3A_121 = arith.constant 0 : i32
        %dma_wait3A_122 = arith.constant 0 : i32
        %dma_wait3A_123 = tpu.memref_slice %arg8[%dma_wait3A_120, %dma_wait3A_121, %dma_wait3A_122] : memref<3x80x128xf32, #tpu.memory_space<vmem>> -> memref<1x80x128xf32, #tpu.memory_space<vmem>>
        %dma_wait3A_124 = tpu.memref_squeeze %dma_wait3A_123 : memref<1x80x128xf32, #tpu.memory_space<vmem>> -> memref<80x128xf32, #tpu.memory_space<vmem>>
        %dma_wait3A_125 = arith.constant 0 : i32
        %dma_wait3A_126 = tpu.memref_slice %arg6[%add3A_119, %dma_wait3A_125] : memref<25x80xi32, #tpu.memory_space<vmem>> -> memref<1x80xi32, #tpu.memory_space<vmem>>
        %dma_wait3A_127 = tpu.memref_squeeze %dma_wait3A_126 : memref<1x80xi32, #tpu.memory_space<vmem>> -> memref<80xi32, #tpu.memory_space<vmem>>
        %dma_wait3A_128 = arith.constant 0 : i32
        %dma_wait3A_129 = arith.constant 0 : i32
        %dma_wait3A_130 = tpu.memref_slice %arg4[%dma_wait3A_128, %dma_wait3A_129] : memref<10000x128xf32, #tpu.memory_space<hbm>> -> memref<10000x128xf32, #tpu.memory_space<hbm>>
        tpu.wait_indirect_dma semaphore(%arg10 : memref<!tpu.dma_semaphore, #tpu.memory_space<semaphore_mem>>) src(%dma_wait3A_130 : memref<10000x128xf32, #tpu.memory_space<hbm>>) dst(%dma_wait3A_124 : memref<80x128xf32, #tpu.memory_space<vmem>>)
        %dma_start3A_131 = arith.constant 0 : i32
        %dma_start3A_132 = arith.constant 0 : i32
        %dma_start3A_133 = arith.constant 0 : i32
        %dma_start3A_134 = tpu.memref_slice %arg8[%dma_start3A_131, %dma_start3A_132, %dma_start3A_133] : memref<3x80x128xf32, #tpu.memory_space<vmem>> -> memref<1x80x128xf32, #tpu.memory_space<vmem>>
        %dma_start3A_135 = tpu.memref_squeeze %dma_start3A_134 : memref<1x80x128xf32, #tpu.memory_space<vmem>> -> memref<80x128xf32, #tpu.memory_space<vmem>>
        %dma_start3A_136 = arith.constant 0 : i32
        %dma_start3A_137 = tpu.memref_slice %arg7[%add3A_119, %dma_start3A_136] : memref<25x80xi32, #tpu.memory_space<vmem>> -> memref<1x80xi32, #tpu.memory_space<vmem>>
        %dma_start3A_138 = tpu.memref_squeeze %dma_start3A_137 : memref<1x80xi32, #tpu.memory_space<vmem>> -> memref<80xi32, #tpu.memory_space<vmem>>
        %dma_start3A_139 = arith.constant 0 : i32
        %dma_start3A_140 = arith.constant 0 : i32
        %dma_start3A_141 = tpu.memref_slice %arg9[%dma_start3A_139, %dma_start3A_140] : memref<10008x128xf32, #tpu.memory_space<vmem_shared>> -> memref<10008x128xf32, #tpu.memory_space<vmem_shared>>
        tpu.enqueue_indirect_dma source(%dma_start3A_135 : memref<80x128xf32, #tpu.memory_space<vmem>>) target(%dma_start3A_141 : memref<10008x128xf32, #tpu.memory_space<vmem_shared>>) offsets(%dma_start3A_138 : memref<80xi32, #tpu.memory_space<vmem>>) semaphore(%arg13 : memref<!tpu.dma_semaphore, #tpu.memory_space<semaphore_mem>>) {add = true}
        %add3A_142 = arith.constant 2 : i32
        %add3A_143 = arith.addi %add3A_119, %add3A_142 : i32
        %lt3A = arith.constant 25 : i32
        %lt3A_144 = arith.cmpi slt, %add3A_143, %lt3A : i32
        %convert_element_type3A = arith.extui %lt3A_144 : i1 to i32
        %cond3A = arith.constant 0 : i32
        %cond3A_145 = arith.cmpi ne, %convert_element_type3A, %cond3A : i32
        scf.if %cond3A_145 {
          %gt3A = arith.constant 0 : i32
          %gt3A_164 = arith.cmpi sgt, %add3A_119, %gt3A : i32
          %convert_element_type3A_165 = arith.extui %gt3A_164 : i1 to i32
          %cond3A_166 = arith.constant 0 : i32
          %cond3A_167 = arith.cmpi ne, %convert_element_type3A_165, %cond3A_166 : i32
          scf.if %cond3A_167 {
            %sub3A_181 = arith.constant 1 : i32
            %sub3A_182 = arith.subi %add3A_119, %sub3A_181 : i32
            %dma_wait3A_183 = arith.constant 2 : i32
            %dma_wait3A_184 = arith.constant 0 : i32
            %dma_wait3A_185 = arith.constant 0 : i32
            %dma_wait3A_186 = tpu.memref_slice %arg8[%dma_wait3A_183, %dma_wait3A_184, %dma_wait3A_185] : memref<3x80x128xf32, #tpu.memory_space<vmem>> -> memref<1x80x128xf32, #tpu.memory_space<vmem>>
            %dma_wait3A_187 = tpu.memref_squeeze %dma_wait3A_186 : memref<1x80x128xf32, #tpu.memory_space<vmem>> -> memref<80x128xf32, #tpu.memory_space<vmem>>
            %dma_wait3A_188 = arith.constant 0 : i32
            %dma_wait3A_189 = tpu.memref_slice %arg7[%sub3A_182, %dma_wait3A_188] : memref<25x80xi32, #tpu.memory_space<vmem>> -> memref<1x80xi32, #tpu.memory_space<vmem>>
            %dma_wait3A_190 = tpu.memref_squeeze %dma_wait3A_189 : memref<1x80xi32, #tpu.memory_space<vmem>> -> memref<80xi32, #tpu.memory_space<vmem>>
            %dma_wait3A_191 = arith.constant 0 : i32
            %dma_wait3A_192 = arith.constant 0 : i32
            %dma_wait3A_193 = tpu.memref_slice %arg9[%dma_wait3A_191, %dma_wait3A_192] : memref<10008x128xf32, #tpu.memory_space<vmem_shared>> -> memref<10008x128xf32, #tpu.memory_space<vmem_shared>>
            tpu.wait_indirect_dma semaphore(%arg15 : memref<!tpu.dma_semaphore, #tpu.memory_space<semaphore_mem>>) src(%dma_wait3A_187 : memref<80x128xf32, #tpu.memory_space<vmem>>) dst(%dma_wait3A_193 : memref<10008x128xf32, #tpu.memory_space<vmem_shared>>)
          } else {
          }
          %add3A_168 = arith.constant 2 : i32
          %add3A_169 = arith.addi %add3A_119, %add3A_168 : i32
          %dma_start3A_170 = arith.constant 2 : i32
          %dma_start3A_171 = arith.constant 0 : i32
          %dma_start3A_172 = arith.constant 0 : i32
          %dma_start3A_173 = tpu.memref_slice %arg8[%dma_start3A_170, %dma_start3A_171, %dma_start3A_172] : memref<3x80x128xf32, #tpu.memory_space<vmem>> -> memref<1x80x128xf32, #tpu.memory_space<vmem>>
          %dma_start3A_174 = tpu.memref_squeeze %dma_start3A_173 : memref<1x80x128xf32, #tpu.memory_space<vmem>> -> memref<80x128xf32, #tpu.memory_space<vmem>>
          %dma_start3A_175 = arith.constant 0 : i32
          %dma_start3A_176 = tpu.memref_slice %arg6[%add3A_169, %dma_start3A_175] : memref<25x80xi32, #tpu.memory_space<vmem>> -> memref<1x80xi32, #tpu.memory_space<vmem>>
          %dma_start3A_177 = tpu.memref_squeeze %dma_start3A_176 : memref<1x80xi32, #tpu.memory_space<vmem>> -> memref<80xi32, #tpu.memory_space<vmem>>
          %dma_start3A_178 = arith.constant 0 : i32
          %dma_start3A_179 = arith.constant 0 : i32
          %dma_start3A_180 = tpu.memref_slice %arg4[%dma_start3A_178, %dma_start3A_179] : memref<10000x128xf32, #tpu.memory_space<hbm>> -> memref<10000x128xf32, #tpu.memory_space<hbm>>
          tpu.enqueue_indirect_dma source(%dma_start3A_180 : memref<10000x128xf32, #tpu.memory_space<hbm>>) target(%dma_start3A_174 : memref<80x128xf32, #tpu.memory_space<vmem>>) offsets(%dma_start3A_177 : memref<80xi32, #tpu.memory_space<vmem>>) semaphore(%arg12 : memref<!tpu.dma_semaphore, #tpu.memory_space<semaphore_mem>>)
        } else {
        }
        %add3A_146 = arith.constant 1 : i32
        %add3A_147 = arith.addi %add3A_117, %add3A_146 : i32
        %add3A_148 = arith.constant 1 : i32
        %add3A_149 = arith.addi %add3A_117, %add3A_148 : i32
        %lt3A_150 = arith.constant 25 : i32
        %lt3A_151 = arith.cmpi slt, %add3A_149, %lt3A_150 : i32
        %convert_element_type3A_152 = arith.extui %lt3A_151 : i1 to i32
        %cond3A_153 = arith.constant 0 : i32
        %cond3A_154 = arith.cmpi ne, %convert_element_type3A_152, %cond3A_153 : i32
        scf.if %cond3A_154 {
          %dma_wait3A_164 = arith.constant 1 : i32
          %dma_wait3A_165 = arith.constant 0 : i32
          %dma_wait3A_166 = arith.constant 0 : i32
          %dma_wait3A_167 = tpu.memref_slice %arg8[%dma_wait3A_164, %dma_wait3A_165, %dma_wait3A_166] : memref<3x80x128xf32, #tpu.memory_space<vmem>> -> memref<1x80x128xf32, #tpu.memory_space<vmem>>
          %dma_wait3A_168 = tpu.memref_squeeze %dma_wait3A_167 : memref<1x80x128xf32, #tpu.memory_space<vmem>> -> memref<80x128xf32, #tpu.memory_space<vmem>>
          %dma_wait3A_169 = arith.constant 0 : i32
          %dma_wait3A_170 = tpu.memref_slice %arg6[%add3A_147, %dma_wait3A_169] : memref<25x80xi32, #tpu.memory_space<vmem>> -> memref<1x80xi32, #tpu.memory_space<vmem>>
          %dma_wait3A_171 = tpu.memref_squeeze %dma_wait3A_170 : memref<1x80xi32, #tpu.memory_space<vmem>> -> memref<80xi32, #tpu.memory_space<vmem>>
          %dma_wait3A_172 = arith.constant 0 : i32
          %dma_wait3A_173 = arith.constant 0 : i32
          %dma_wait3A_174 = tpu.memref_slice %arg4[%dma_wait3A_172, %dma_wait3A_173] : memref<10000x128xf32, #tpu.memory_space<hbm>> -> memref<10000x128xf32, #tpu.memory_space<hbm>>
          tpu.wait_indirect_dma semaphore(%arg11 : memref<!tpu.dma_semaphore, #tpu.memory_space<semaphore_mem>>) src(%dma_wait3A_174 : memref<10000x128xf32, #tpu.memory_space<hbm>>) dst(%dma_wait3A_168 : memref<80x128xf32, #tpu.memory_space<vmem>>)
          %dma_start3A_175 = arith.constant 1 : i32
          %dma_start3A_176 = arith.constant 0 : i32
          %dma_start3A_177 = arith.constant 0 : i32
          %dma_start3A_178 = tpu.memref_slice %arg8[%dma_start3A_175, %dma_start3A_176, %dma_start3A_177] : memref<3x80x128xf32, #tpu.memory_space<vmem>> -> memref<1x80x128xf32, #tpu.memory_space<vmem>>
          %dma_start3A_179 = tpu.memref_squeeze %dma_start3A_178 : memref<1x80x128xf32, #tpu.memory_space<vmem>> -> memref<80x128xf32, #tpu.memory_space<vmem>>
          %dma_start3A_180 = arith.constant 0 : i32
          %dma_start3A_181 = tpu.memref_slice %arg7[%add3A_147, %dma_start3A_180] : memref<25x80xi32, #tpu.memory_space<vmem>> -> memref<1x80xi32, #tpu.memory_space<vmem>>
          %dma_start3A_182 = tpu.memref_squeeze %dma_start3A_181 : memref<1x80xi32, #tpu.memory_space<vmem>> -> memref<80xi32, #tpu.memory_space<vmem>>
          %dma_start3A_183 = arith.constant 0 : i32
          %dma_start3A_184 = arith.constant 0 : i32
          %dma_start3A_185 = tpu.memref_slice %arg9[%dma_start3A_183, %dma_start3A_184] : memref<10008x128xf32, #tpu.memory_space<vmem_shared>> -> memref<10008x128xf32, #tpu.memory_space<vmem_shared>>
          tpu.enqueue_indirect_dma source(%dma_start3A_179 : memref<80x128xf32, #tpu.memory_space<vmem>>) target(%dma_start3A_185 : memref<10008x128xf32, #tpu.memory_space<vmem_shared>>) offsets(%dma_start3A_182 : memref<80xi32, #tpu.memory_space<vmem>>) semaphore(%arg14 : memref<!tpu.dma_semaphore, #tpu.memory_space<semaphore_mem>>) {add = true}
          %add3A_186 = arith.constant 2 : i32
          %add3A_187 = arith.addi %add3A_147, %add3A_186 : i32
          %lt3A_188 = arith.constant 25 : i32
          %lt3A_189 = arith.cmpi slt, %add3A_187, %lt3A_188 : i32
          %convert_element_type3A_190 = arith.extui %lt3A_189 : i1 to i32
          %cond3A_191 = arith.constant 0 : i32
          %cond3A_192 = arith.cmpi ne, %convert_element_type3A_190, %cond3A_191 : i32
          scf.if %cond3A_192 {
            %sub3A_193 = arith.constant 1 : i32
            %sub3A_194 = arith.subi %add3A_147, %sub3A_193 : i32
            %dma_wait3A_195 = arith.constant 0 : i32
            %dma_wait3A_196 = arith.constant 0 : i32
            %dma_wait3A_197 = arith.constant 0 : i32
            %dma_wait3A_198 = tpu.memref_slice %arg8[%dma_wait3A_195, %dma_wait3A_196, %dma_wait3A_197] : memref<3x80x128xf32, #tpu.memory_space<vmem>> -> memref<1x80x128xf32, #tpu.memory_space<vmem>>
            %dma_wait3A_199 = tpu.memref_squeeze %dma_wait3A_198 : memref<1x80x128xf32, #tpu.memory_space<vmem>> -> memref<80x128xf32, #tpu.memory_space<vmem>>
            %dma_wait3A_200 = arith.constant 0 : i32
            %dma_wait3A_201 = tpu.memref_slice %arg7[%sub3A_194, %dma_wait3A_200] : memref<25x80xi32, #tpu.memory_space<vmem>> -> memref<1x80xi32, #tpu.memory_space<vmem>>
            %dma_wait3A_202 = tpu.memref_squeeze %dma_wait3A_201 : memref<1x80xi32, #tpu.memory_space<vmem>> -> memref<80xi32, #tpu.memory_space<vmem>>
            %dma_wait3A_203 = arith.constant 0 : i32
            %dma_wait3A_204 = arith.constant 0 : i32
            %dma_wait3A_205 = tpu.memref_slice %arg9[%dma_wait3A_203, %dma_wait3A_204] : memref<10008x128xf32, #tpu.memory_space<vmem_shared>> -> memref<10008x128xf32, #tpu.memory_space<vmem_shared>>
            tpu.wait_indirect_dma semaphore(%arg13 : memref<!tpu.dma_semaphore, #tpu.memory_space<semaphore_mem>>) src(%dma_wait3A_199 : memref<80x128xf32, #tpu.memory_space<vmem>>) dst(%dma_wait3A_205 : memref<10008x128xf32, #tpu.memory_space<vmem_shared>>)
            %add3A_206 = arith.constant 2 : i32
            %add3A_207 = arith.addi %add3A_147, %add3A_206 : i32
            %dma_start3A_208 = arith.constant 0 : i32
            %dma_start3A_209 = arith.constant 0 : i32
            %dma_start3A_210 = arith.constant 0 : i32
            %dma_start3A_211 = tpu.memref_slice %arg8[%dma_start3A_208, %dma_start3A_209, %dma_start3A_210] : memref<3x80x128xf32, #tpu.memory_space<vmem>> -> memref<1x80x128xf32, #tpu.memory_space<vmem>>
            %dma_start3A_212 = tpu.memref_squeeze %dma_start3A_211 : memref<1x80x128xf32, #tpu.memory_space<vmem>> -> memref<80x128xf32, #tpu.memory_space<vmem>>
            %dma_start3A_213 = arith.constant 0 : i32
            %dma_start3A_214 = tpu.memref_slice %arg6[%add3A_207, %dma_start3A_213] : memref<25x80xi32, #tpu.memory_space<vmem>> -> memref<1x80xi32, #tpu.memory_space<vmem>>
            %dma_start3A_215 = tpu.memref_squeeze %dma_start3A_214 : memref<1x80xi32, #tpu.memory_space<vmem>> -> memref<80xi32, #tpu.memory_space<vmem>>
            %dma_start3A_216 = arith.constant 0 : i32
            %dma_start3A_217 = arith.constant 0 : i32
            %dma_start3A_218 = tpu.memref_slice %arg4[%dma_start3A_216, %dma_start3A_217] : memref<10000x128xf32, #tpu.memory_space<hbm>> -> memref<10000x128xf32, #tpu.memory_space<hbm>>
            tpu.enqueue_indirect_dma source(%dma_start3A_218 : memref<10000x128xf32, #tpu.memory_space<hbm>>) target(%dma_start3A_212 : memref<80x128xf32, #tpu.memory_space<vmem>>) offsets(%dma_start3A_215 : memref<80xi32, #tpu.memory_space<vmem>>) semaphore(%arg10 : memref<!tpu.dma_semaphore, #tpu.memory_space<semaphore_mem>>)
          } else {
          }
        } else {
        }
        %add3A_155 = arith.constant 2 : i32
        %add3A_156 = arith.addi %add3A_117, %add3A_155 : i32
        %add3A_157 = arith.constant 2 : i32
        %add3A_158 = arith.addi %add3A_117, %add3A_157 : i32
        %lt3A_159 = arith.constant 25 : i32
        %lt3A_160 = arith.cmpi slt, %add3A_158, %lt3A_159 : i32
        %convert_element_type3A_161 = arith.extui %lt3A_160 : i1 to i32
        %cond3A_162 = arith.constant 0 : i32
        %cond3A_163 = arith.cmpi ne, %convert_element_type3A_161, %cond3A_162 : i32
        scf.if %cond3A_163 {
          %dma_wait3A_164 = arith.constant 2 : i32
          %dma_wait3A_165 = arith.constant 0 : i32
          %dma_wait3A_166 = arith.constant 0 : i32
          %dma_wait3A_167 = tpu.memref_slice %arg8[%dma_wait3A_164, %dma_wait3A_165, %dma_wait3A_166] : memref<3x80x128xf32, #tpu.memory_space<vmem>> -> memref<1x80x128xf32, #tpu.memory_space<vmem>>
          %dma_wait3A_168 = tpu.memref_squeeze %dma_wait3A_167 : memref<1x80x128xf32, #tpu.memory_space<vmem>> -> memref<80x128xf32, #tpu.memory_space<vmem>>
          %dma_wait3A_169 = arith.constant 0 : i32
          %dma_wait3A_170 = tpu.memref_slice %arg6[%add3A_156, %dma_wait3A_169] : memref<25x80xi32, #tpu.memory_space<vmem>> -> memref<1x80xi32, #tpu.memory_space<vmem>>
          %dma_wait3A_171 = tpu.memref_squeeze %dma_wait3A_170 : memref<1x80xi32, #tpu.memory_space<vmem>> -> memref<80xi32, #tpu.memory_space<vmem>>
          %dma_wait3A_172 = arith.constant 0 : i32
          %dma_wait3A_173 = arith.constant 0 : i32
          %dma_wait3A_174 = tpu.memref_slice %arg4[%dma_wait3A_172, %dma_wait3A_173] : memref<10000x128xf32, #tpu.memory_space<hbm>> -> memref<10000x128xf32, #tpu.memory_space<hbm>>
          tpu.wait_indirect_dma semaphore(%arg12 : memref<!tpu.dma_semaphore, #tpu.memory_space<semaphore_mem>>) src(%dma_wait3A_174 : memref<10000x128xf32, #tpu.memory_space<hbm>>) dst(%dma_wait3A_168 : memref<80x128xf32, #tpu.memory_space<vmem>>)
          %dma_start3A_175 = arith.constant 2 : i32
          %dma_start3A_176 = arith.constant 0 : i32
          %dma_start3A_177 = arith.constant 0 : i32
          %dma_start3A_178 = tpu.memref_slice %arg8[%dma_start3A_175, %dma_start3A_176, %dma_start3A_177] : memref<3x80x128xf32, #tpu.memory_space<vmem>> -> memref<1x80x128xf32, #tpu.memory_space<vmem>>
          %dma_start3A_179 = tpu.memref_squeeze %dma_start3A_178 : memref<1x80x128xf32, #tpu.memory_space<vmem>> -> memref<80x128xf32, #tpu.memory_space<vmem>>
          %dma_start3A_180 = arith.constant 0 : i32
          %dma_start3A_181 = tpu.memref_slice %arg7[%add3A_156, %dma_start3A_180] : memref<25x80xi32, #tpu.memory_space<vmem>> -> memref<1x80xi32, #tpu.memory_space<vmem>>
          %dma_start3A_182 = tpu.memref_squeeze %dma_start3A_181 : memref<1x80xi32, #tpu.memory_space<vmem>> -> memref<80xi32, #tpu.memory_space<vmem>>
          %dma_start3A_183 = arith.constant 0 : i32
          %dma_start3A_184 = arith.constant 0 : i32
          %dma_start3A_185 = tpu.memref_slice %arg9[%dma_start3A_183, %dma_start3A_184] : memref<10008x128xf32, #tpu.memory_space<vmem_shared>> -> memref<10008x128xf32, #tpu.memory_space<vmem_shared>>
          tpu.enqueue_indirect_dma source(%dma_start3A_179 : memref<80x128xf32, #tpu.memory_space<vmem>>) target(%dma_start3A_185 : memref<10008x128xf32, #tpu.memory_space<vmem_shared>>) offsets(%dma_start3A_182 : memref<80xi32, #tpu.memory_space<vmem>>) semaphore(%arg15 : memref<!tpu.dma_semaphore, #tpu.memory_space<semaphore_mem>>) {add = true}
          %add3A_186 = arith.constant 2 : i32
          %add3A_187 = arith.addi %add3A_156, %add3A_186 : i32
          %lt3A_188 = arith.constant 25 : i32
          %lt3A_189 = arith.cmpi slt, %add3A_187, %lt3A_188 : i32
          %convert_element_type3A_190 = arith.extui %lt3A_189 : i1 to i32
          %cond3A_191 = arith.constant 0 : i32
          %cond3A_192 = arith.cmpi ne, %convert_element_type3A_190, %cond3A_191 : i32
          scf.if %cond3A_192 {
            %sub3A_193 = arith.constant 1 : i32
            %sub3A_194 = arith.subi %add3A_156, %sub3A_193 : i32
            %dma_wait3A_195 = arith.constant 1 : i32
            %dma_wait3A_196 = arith.constant 0 : i32
            %dma_wait3A_197 = arith.constant 0 : i32
            %dma_wait3A_198 = tpu.memref_slice %arg8[%dma_wait3A_195, %dma_wait3A_196, %dma_wait3A_197] : memref<3x80x128xf32, #tpu.memory_space<vmem>> -> memref<1x80x128xf32, #tpu.memory_space<vmem>>
            %dma_wait3A_199 = tpu.memref_squeeze %dma_wait3A_198 : memref<1x80x128xf32, #tpu.memory_space<vmem>> -> memref<80x128xf32, #tpu.memory_space<vmem>>
            %dma_wait3A_200 = arith.constant 0 : i32
            %dma_wait3A_201 = tpu.memref_slice %arg7[%sub3A_194, %dma_wait3A_200] : memref<25x80xi32, #tpu.memory_space<vmem>> -> memref<1x80xi32, #tpu.memory_space<vmem>>
            %dma_wait3A_202 = tpu.memref_squeeze %dma_wait3A_201 : memref<1x80xi32, #tpu.memory_space<vmem>> -> memref<80xi32, #tpu.memory_space<vmem>>
            %dma_wait3A_203 = arith.constant 0 : i32
            %dma_wait3A_204 = arith.constant 0 : i32
            %dma_wait3A_205 = tpu.memref_slice %arg9[%dma_wait3A_203, %dma_wait3A_204] : memref<10008x128xf32, #tpu.memory_space<vmem_shared>> -> memref<10008x128xf32, #tpu.memory_space<vmem_shared>>
            tpu.wait_indirect_dma semaphore(%arg14 : memref<!tpu.dma_semaphore, #tpu.memory_space<semaphore_mem>>) src(%dma_wait3A_199 : memref<80x128xf32, #tpu.memory_space<vmem>>) dst(%dma_wait3A_205 : memref<10008x128xf32, #tpu.memory_space<vmem_shared>>)
            %add3A_206 = arith.constant 2 : i32
            %add3A_207 = arith.addi %add3A_156, %add3A_206 : i32
            %dma_start3A_208 = arith.constant 1 : i32
            %dma_start3A_209 = arith.constant 0 : i32
            %dma_start3A_210 = arith.constant 0 : i32
            %dma_start3A_211 = tpu.memref_slice %arg8[%dma_start3A_208, %dma_start3A_209, %dma_start3A_210] : memref<3x80x128xf32, #tpu.memory_space<vmem>> -> memref<1x80x128xf32, #tpu.memory_space<vmem>>
            %dma_start3A_212 = tpu.memref_squeeze %dma_start3A_211 : memref<1x80x128xf32, #tpu.memory_space<vmem>> -> memref<80x128xf32, #tpu.memory_space<vmem>>
            %dma_start3A_213 = arith.constant 0 : i32
            %dma_start3A_214 = tpu.memref_slice %arg6[%add3A_207, %dma_start3A_213] : memref<25x80xi32, #tpu.memory_space<vmem>> -> memref<1x80xi32, #tpu.memory_space<vmem>>
            %dma_start3A_215 = tpu.memref_squeeze %dma_start3A_214 : memref<1x80xi32, #tpu.memory_space<vmem>> -> memref<80xi32, #tpu.memory_space<vmem>>
            %dma_start3A_216 = arith.constant 0 : i32
            %dma_start3A_217 = arith.constant 0 : i32
            %dma_start3A_218 = tpu.memref_slice %arg4[%dma_start3A_216, %dma_start3A_217] : memref<10000x128xf32, #tpu.memory_space<hbm>> -> memref<10000x128xf32, #tpu.memory_space<hbm>>
            tpu.enqueue_indirect_dma source(%dma_start3A_218 : memref<10000x128xf32, #tpu.memory_space<hbm>>) target(%dma_start3A_212 : memref<80x128xf32, #tpu.memory_space<vmem>>) offsets(%dma_start3A_215 : memref<80xi32, #tpu.memory_space<vmem>>) semaphore(%arg11 : memref<!tpu.dma_semaphore, #tpu.memory_space<semaphore_mem>>)
          } else {
          }
        } else {
        }
      }
      %scan3A_77 = arith.constant 9 : i32
      %dma_wait3A = arith.constant 1 : i32
      %dma_wait3A_78 = arith.constant 22 : i32
      %dma_wait3A_79 = arith.constant 0 : i32
      %dma_wait3A_80 = arith.constant 0 : i32
      %dma_wait3A_81 = tpu.memref_slice %arg8[%dma_wait3A, %dma_wait3A_79, %dma_wait3A_80] : memref<3x80x128xf32, #tpu.memory_space<vmem>> -> memref<1x80x128xf32, #tpu.memory_space<vmem>>
      %dma_wait3A_82 = tpu.memref_squeeze %dma_wait3A_81 : memref<1x80x128xf32, #tpu.memory_space<vmem>> -> memref<80x128xf32, #tpu.memory_space<vmem>>
      %dma_wait3A_83 = arith.constant 0 : i32
      %dma_wait3A_84 = tpu.memref_slice %arg7[%dma_wait3A_78, %dma_wait3A_83] : memref<25x80xi32, #tpu.memory_space<vmem>> -> memref<1x80xi32, #tpu.memory_space<vmem>>
      %dma_wait3A_85 = tpu.memref_squeeze %dma_wait3A_84 : memref<1x80xi32, #tpu.memory_space<vmem>> -> memref<80xi32, #tpu.memory_space<vmem>>
      %dma_wait3A_86 = arith.constant 0 : i32
      %dma_wait3A_87 = arith.constant 0 : i32
      %dma_wait3A_88 = tpu.memref_slice %arg9[%dma_wait3A_86, %dma_wait3A_87] : memref<10008x128xf32, #tpu.memory_space<vmem_shared>> -> memref<10008x128xf32, #tpu.memory_space<vmem_shared>>
      tpu.wait_indirect_dma semaphore(%arg14 : memref<!tpu.dma_semaphore, #tpu.memory_space<semaphore_mem>>) src(%dma_wait3A_82 : memref<80x128xf32, #tpu.memory_space<vmem>>) dst(%dma_wait3A_88 : memref<10008x128xf32, #tpu.memory_space<vmem_shared>>)
      %dma_wait3A_89 = arith.constant 2 : i32
      %dma_wait3A_90 = arith.constant 23 : i32
      %dma_wait3A_91 = arith.constant 0 : i32
      %dma_wait3A_92 = arith.constant 0 : i32
      %dma_wait3A_93 = tpu.memref_slice %arg8[%dma_wait3A_89, %dma_wait3A_91, %dma_wait3A_92] : memref<3x80x128xf32, #tpu.memory_space<vmem>> -> memref<1x80x128xf32, #tpu.memory_space<vmem>>
      %dma_wait3A_94 = tpu.memref_squeeze %dma_wait3A_93 : memref<1x80x128xf32, #tpu.memory_space<vmem>> -> memref<80x128xf32, #tpu.memory_space<vmem>>
      %dma_wait3A_95 = arith.constant 0 : i32
      %dma_wait3A_96 = tpu.memref_slice %arg7[%dma_wait3A_90, %dma_wait3A_95] : memref<25x80xi32, #tpu.memory_space<vmem>> -> memref<1x80xi32, #tpu.memory_space<vmem>>
      %dma_wait3A_97 = tpu.memref_squeeze %dma_wait3A_96 : memref<1x80xi32, #tpu.memory_space<vmem>> -> memref<80xi32, #tpu.memory_space<vmem>>
      %dma_wait3A_98 = arith.constant 0 : i32
      %dma_wait3A_99 = arith.constant 0 : i32
      %dma_wait3A_100 = tpu.memref_slice %arg9[%dma_wait3A_98, %dma_wait3A_99] : memref<10008x128xf32, #tpu.memory_space<vmem_shared>> -> memref<10008x128xf32, #tpu.memory_space<vmem_shared>>
      tpu.wait_indirect_dma semaphore(%arg15 : memref<!tpu.dma_semaphore, #tpu.memory_space<semaphore_mem>>) src(%dma_wait3A_94 : memref<80x128xf32, #tpu.memory_space<vmem>>) dst(%dma_wait3A_100 : memref<10008x128xf32, #tpu.memory_space<vmem_shared>>)
      %dma_wait3A_101 = arith.constant 0 : i32
      %dma_wait3A_102 = arith.constant 24 : i32
      %dma_wait3A_103 = arith.constant 0 : i32
      %dma_wait3A_104 = arith.constant 0 : i32
      %dma_wait3A_105 = tpu.memref_slice %arg8[%dma_wait3A_101, %dma_wait3A_103, %dma_wait3A_104] : memref<3x80x128xf32, #tpu.memory_space<vmem>> -> memref<1x80x128xf32, #tpu.memory_space<vmem>>
      %dma_wait3A_106 = tpu.memref_squeeze %dma_wait3A_105 : memref<1x80x128xf32, #tpu.memory_space<vmem>> -> memref<80x128xf32, #tpu.memory_space<vmem>>
      %dma_wait3A_107 = arith.constant 0 : i32
      %dma_wait3A_108 = tpu.memref_slice %arg7[%dma_wait3A_102, %dma_wait3A_107] : memref<25x80xi32, #tpu.memory_space<vmem>> -> memref<1x80xi32, #tpu.memory_space<vmem>>
      %dma_wait3A_109 = tpu.memref_squeeze %dma_wait3A_108 : memref<1x80xi32, #tpu.memory_space<vmem>> -> memref<80xi32, #tpu.memory_space<vmem>>
      %dma_wait3A_110 = arith.constant 0 : i32
      %dma_wait3A_111 = arith.constant 0 : i32
      %dma_wait3A_112 = tpu.memref_slice %arg9[%dma_wait3A_110, %dma_wait3A_111] : memref<10008x128xf32, #tpu.memory_space<vmem_shared>> -> memref<10008x128xf32, #tpu.memory_space<vmem_shared>>
      tpu.wait_indirect_dma semaphore(%arg13 : memref<!tpu.dma_semaphore, #tpu.memory_space<semaphore_mem>>) src(%dma_wait3A_106 : memref<80x128xf32, #tpu.memory_space<vmem>>) dst(%dma_wait3A_112 : memref<10008x128xf32, #tpu.memory_space<vmem_shared>>)
    }
    %scan3A_25 = arith.constant 5 : i32
    %barrier3A_26 = arith.constant 0 : index
    tpu.barrier barrier_id(%barrier3A_26)
    %sub3A_27 = arith.constant 125 : i32
    %sub3A_28 = arith.subi %sub3A_27, %arg1 : i32
    %sub3A_29 = arith.constant 16 : i32
    %sub3A_30 = arith.constant 1 : i32
    %sub3A_31 = arith.subi %sub3A_29, %sub3A_30 : i32
    %add3A_32 = arith.addi %sub3A_28, %sub3A_31 : i32
    %div3A_33 = arith.constant 16 : i32
    %div3A_34 = arith.divsi %add3A_32, %div3A_33 : i32
    %while3A_35 = arith.constant 16 : i32
    %while3A_36 = arith.constant 0 : i32
    %while3A_37 = arith.subi %div3A_34, %while3A_36 : i32
    %while3A_38 = arith.addi %while3A_36, %while3A_37 : i32
    %while3A_39 = arith.constant 1 : i32
    %while3A_40 = arith.divsi %while3A_37, %while3A_39 : i32
    %while3A_41 = arith.muli %while3A_40, %while3A_39 : i32
    %while3A_42 = arith.addi %while3A_36, %while3A_41 : i32
    %while3A_43 = arith.constant 1 : i32
    scf.for %while3A_45 = %while3A_36 to %while3A_42 step %while3A_43  : i32 {
      %mul3A_46 = arith.muli %while3A_45, %while3A_35 : i32
      %add3A_47 = arith.addi %arg1, %mul3A_46 : i32
      %mul3A_48 = arith.constant 80 : i32
      %mul3A_49 = arith.muli %add3A_47, %mul3A_48 : i32
      %mul3A_50 = arith.constant 10000 : i32
      %mul3A_51 = arith.muli %arg0, %mul3A_50 : i32
      %mul3A_52 = arith.constant 80 : i32
      %mul3A_53 = arith.muli %add3A_47, %mul3A_52 : i32
      %add3A_54 = arith.addi %mul3A_51, %mul3A_53 : i32
      "tpu.region"() ({
        %run_scoped3A = tpu.sem_alloc : memref<!tpu.dma_semaphore, #tpu.memory_space<semaphore_mem>>
        %dma_start3A = arith.constant 0 : i32
        %dma_start3A_55 = tpu.memref_slice %arg5[%add3A_54, %dma_start3A] : memref<20000x128xf32, #tpu.memory_space<hbm>> -> memref<80x128xf32, #tpu.memory_space<hbm>>
        %dma_start3A_56 = arith.constant 0 : i32
        %dma_start3A_57 = tpu.memref_slice %arg9[%mul3A_49, %dma_start3A_56] : memref<10008x128xf32, #tpu.memory_space<vmem_shared>> -> memref<80x128xf32, #tpu.memory_space<vmem_shared>>
        tpu.enqueue_dma source(%dma_start3A_57 : memref<80x128xf32, #tpu.memory_space<vmem_shared>>) target(%dma_start3A_55 : memref<80x128xf32, #tpu.memory_space<hbm>>) target_semaphore(%run_scoped3A : memref<!tpu.dma_semaphore, #tpu.memory_space<semaphore_mem>>)
        %dma_wait3A = arith.constant 0 : i32
        %dma_wait3A_58 = tpu.memref_slice %arg5[%add3A_54, %dma_wait3A] : memref<20000x128xf32, #tpu.memory_space<hbm>> -> memref<80x128xf32, #tpu.memory_space<hbm>>
        %dma_wait3A_59 = arith.constant 0 : i32
        %dma_wait3A_60 = tpu.memref_slice %arg9[%mul3A_49, %dma_wait3A_59] : memref<10008x128xf32, #tpu.memory_space<vmem_shared>> -> memref<80x128xf32, #tpu.memory_space<vmem_shared>>
        tpu.wait_dma2 semaphore(%run_scoped3A : memref<!tpu.dma_semaphore, #tpu.memory_space<semaphore_mem>>) src(%dma_wait3A_60 : memref<80x128xf32, #tpu.memory_space<vmem_shared>>) dst(%dma_wait3A_58 : memref<80x128xf32, #tpu.memory_space<hbm>>)
        tpu.yield
      }) : () -> ()
    }
    %while3A_44 = arith.constant 1 : i32
    scf.for %while3A_45 = %while3A_42 to %while3A_38 step %while3A_44  : i32 {
      %mul3A_46 = arith.muli %while3A_45, %while3A_35 : i32
      %add3A_47 = arith.addi %arg1, %mul3A_46 : i32
      %mul3A_48 = arith.constant 80 : i32
      %mul3A_49 = arith.muli %add3A_47, %mul3A_48 : i32
      %mul3A_50 = arith.constant 10000 : i32
      %mul3A_51 = arith.muli %arg0, %mul3A_50 : i32
      %mul3A_52 = arith.constant 80 : i32
      %mul3A_53 = arith.muli %add3A_47, %mul3A_52 : i32
      %add3A_54 = arith.addi %mul3A_51, %mul3A_53 : i32
      "tpu.region"() ({
        %run_scoped3A = tpu.sem_alloc : memref<!tpu.dma_semaphore, #tpu.memory_space<semaphore_mem>>
        %dma_start3A = arith.constant 0 : i32
        %dma_start3A_55 = tpu.memref_slice %arg5[%add3A_54, %dma_start3A] : memref<20000x128xf32, #tpu.memory_space<hbm>> -> memref<80x128xf32, #tpu.memory_space<hbm>>
        %dma_start3A_56 = arith.constant 0 : i32
        %dma_start3A_57 = tpu.memref_slice %arg9[%mul3A_49, %dma_start3A_56] : memref<10008x128xf32, #tpu.memory_space<vmem_shared>> -> memref<80x128xf32, #tpu.memory_space<vmem_shared>>
        tpu.enqueue_dma source(%dma_start3A_57 : memref<80x128xf32, #tpu.memory_space<vmem_shared>>) target(%dma_start3A_55 : memref<80x128xf32, #tpu.memory_space<hbm>>) target_semaphore(%run_scoped3A : memref<!tpu.dma_semaphore, #tpu.memory_space<semaphore_mem>>)
        %dma_wait3A = arith.constant 0 : i32
        %dma_wait3A_58 = tpu.memref_slice %arg5[%add3A_54, %dma_wait3A] : memref<20000x128xf32, #tpu.memory_space<hbm>> -> memref<80x128xf32, #tpu.memory_space<hbm>>
        %dma_wait3A_59 = arith.constant 0 : i32
        %dma_wait3A_60 = tpu.memref_slice %arg9[%mul3A_49, %dma_wait3A_59] : memref<10008x128xf32, #tpu.memory_space<vmem_shared>> -> memref<80x128xf32, #tpu.memory_space<vmem_shared>>
        tpu.wait_dma2 semaphore(%run_scoped3A : memref<!tpu.dma_semaphore, #tpu.memory_space<semaphore_mem>>) src(%dma_wait3A_60 : memref<80x128xf32, #tpu.memory_space<vmem_shared>>) dst(%dma_wait3A_58 : memref<80x128xf32, #tpu.memory_space<hbm>>)
        tpu.yield
      }) : () -> ()
    }
    return
  }
}

module attributes {stable_mosaic.version = 14 : i64} {
  func.func @_dense_body(%arg0: i32, %arg1: memref<2000x128xf32, #tpu.memory_space<vmem>>, %arg2: memref<2x2000x128xf32, #tpu.memory_space<vmem>>, %arg3: memref<128x128xf32, #tpu.memory_space<vmem>>, %arg4: memref<1x128xf32, #tpu.memory_space<vmem>>, %arg5: memref<128x128xf32, #tpu.memory_space<vmem>>, %arg6: memref<1x128xf32, #tpu.memory_space<vmem>>, %arg7: memref<128x128xf32, #tpu.memory_space<vmem>>, %arg8: memref<1x128xf32, #tpu.memory_space<vmem>>, %arg9: memref<2000x128xf32, #tpu.memory_space<vmem>>) attributes {dimension_semantics = [#tpu.dimension_semantics<arbitrary>], iteration_bounds = array<i64: 5>, scalar_prefetch = 0 : i64, scratch_operands = 0 : i64, tpu.core_type = #tpu.core_type<tc>, window_params = [{transform_indices = @transform_0, window_bounds = array<i64: 2000, 128>}, {transform_indices = @transform_1, window_bounds = array<i64: 2, 2000, 128>}, {pipeline_mode = #tpu.pipeline_mode<synchronous>, transform_indices = @transform_2, window_bounds = array<i64: 128, 128>}, {pipeline_mode = #tpu.pipeline_mode<synchronous>, transform_indices = @transform_3, window_bounds = array<i64: 1, 128>}, {pipeline_mode = #tpu.pipeline_mode<synchronous>, transform_indices = @transform_4, window_bounds = array<i64: 128, 128>}, {pipeline_mode = #tpu.pipeline_mode<synchronous>, transform_indices = @transform_5, window_bounds = array<i64: 1, 128>}, {pipeline_mode = #tpu.pipeline_mode<synchronous>, transform_indices = @transform_6, window_bounds = array<i64: 128, 128>}, {pipeline_mode = #tpu.pipeline_mode<synchronous>, transform_indices = @transform_7, window_bounds = array<i64: 1, 128>}, {transform_indices = @transform_8, window_bounds = array<i64: 2000, 128>}]} {
    %get3A = arith.constant 0 : index
    %get3A_0 = arith.constant 0 : index
    %get3A_1 = vector.load %arg1[%get3A, %get3A_0] : memref<2000x128xf32, #tpu.memory_space<vmem>>, vector<2000x128xf32>
    %get3A_2 = arith.constant 0 : index
    %get3A_3 = arith.constant 0 : index
    %get3A_4 = arith.constant 0 : index
    %get3A_5 = vector.load %arg2[%get3A_2, %get3A_3, %get3A_4] : memref<2x2000x128xf32, #tpu.memory_space<vmem>>, vector<1x2000x128xf32>
    %get3A_6 = vector.shape_cast %get3A_5 : vector<1x2000x128xf32> to vector<2000x128xf32>
    %add3A = arith.addf %get3A_1, %get3A_6 : vector<2000x128xf32>
    %get3A_7 = arith.constant 1 : index
    %get3A_8 = arith.constant 0 : index
    %get3A_9 = arith.constant 0 : index
    %get3A_10 = vector.load %arg2[%get3A_7, %get3A_8, %get3A_9] : memref<2x2000x128xf32, #tpu.memory_space<vmem>>, vector<1x2000x128xf32>
    %get3A_11 = vector.shape_cast %get3A_10 : vector<1x2000x128xf32> to vector<2000x128xf32>
    %add3A_12 = arith.addf %add3A, %get3A_11 : vector<2000x128xf32>
    %get3A_13 = arith.constant 0 : index
    %get3A_14 = arith.constant 0 : index
    %get3A_15 = vector.load %arg3[%get3A_13, %get3A_14] : memref<128x128xf32, #tpu.memory_space<vmem>>, vector<128x128xf32>
    %dot_general3A = arith.constant dense<0.000000e+00> : vector<2000x128xf32>
    %dot_general3A_16 = tpu.matmul %add3A_12, %get3A_15, %dot_general3A {dimension_numbers = #tpu.dot_dimension_numbers<[1], [0], [0], [1], [0, 0, 1, 1], [], []>, transpose_lhs_hint = false} : vector<2000x128xf32>, vector<128x128xf32>, vector<2000x128xf32> -> vector<2000x128xf32>
    %get3A_17 = arith.constant 0 : index
    %get3A_18 = arith.constant 0 : index
    %get3A_19 = vector.load %arg4[%get3A_17, %get3A_18] : memref<1x128xf32, #tpu.memory_space<vmem>>, vector<1x128xf32>
    %add3A_20 = vector.broadcast %get3A_19 : vector<1x128xf32> to vector<2000x128xf32>
    %add3A_21 = arith.addf %dot_general3A_16, %add3A_20 : vector<2000x128xf32>
    %max3A = arith.constant 0.000000e+00 : f32
    %max3A_22 = vector.broadcast %max3A : f32 to vector<2000x128xf32>
    %max3A_23 = arith.maximumf %add3A_21, %max3A_22 : vector<2000x128xf32>
    %get3A_24 = arith.constant 0 : index
    %get3A_25 = arith.constant 0 : index
    %get3A_26 = vector.load %arg5[%get3A_24, %get3A_25] : memref<128x128xf32, #tpu.memory_space<vmem>>, vector<128x128xf32>
    %dot_general3A_27 = arith.constant dense<0.000000e+00> : vector<2000x128xf32>
    %dot_general3A_28 = tpu.matmul %max3A_23, %get3A_26, %dot_general3A_27 {dimension_numbers = #tpu.dot_dimension_numbers<[1], [0], [0], [1], [0, 0, 1, 1], [], []>, transpose_lhs_hint = false} : vector<2000x128xf32>, vector<128x128xf32>, vector<2000x128xf32> -> vector<2000x128xf32>
    %get3A_29 = arith.constant 0 : index
    %get3A_30 = arith.constant 0 : index
    %get3A_31 = vector.load %arg6[%get3A_29, %get3A_30] : memref<1x128xf32, #tpu.memory_space<vmem>>, vector<1x128xf32>
    %add3A_32 = vector.broadcast %get3A_31 : vector<1x128xf32> to vector<2000x128xf32>
    %add3A_33 = arith.addf %dot_general3A_28, %add3A_32 : vector<2000x128xf32>
    %get3A_34 = arith.constant 0 : index
    %get3A_35 = arith.constant 0 : index
    %get3A_36 = vector.load %arg7[%get3A_34, %get3A_35] : memref<128x128xf32, #tpu.memory_space<vmem>>, vector<128x128xf32>
    %dot_general3A_37 = arith.constant dense<0.000000e+00> : vector<2000x128xf32>
    %dot_general3A_38 = tpu.matmul %get3A_1, %get3A_36, %dot_general3A_37 {dimension_numbers = #tpu.dot_dimension_numbers<[1], [0], [0], [1], [0, 0, 1, 1], [], []>, transpose_lhs_hint = false} : vector<2000x128xf32>, vector<128x128xf32>, vector<2000x128xf32> -> vector<2000x128xf32>
    %add3A_39 = arith.addf %add3A_33, %dot_general3A_38 : vector<2000x128xf32>
    %get3A_40 = arith.constant 0 : index
    %get3A_41 = arith.constant 0 : index
    %get3A_42 = vector.load %arg8[%get3A_40, %get3A_41] : memref<1x128xf32, #tpu.memory_space<vmem>>, vector<1x128xf32>
    %add3A_43 = vector.broadcast %get3A_42 : vector<1x128xf32> to vector<2000x128xf32>
    %add3A_44 = arith.addf %add3A_39, %add3A_43 : vector<2000x128xf32>
    %swap3A = arith.constant 0 : index
    %swap3A_45 = arith.constant 0 : index
    %swap3A_46 = vector.load %arg9[%swap3A, %swap3A_45] : memref<2000x128xf32, #tpu.memory_space<vmem>>, vector<2000x128xf32>
    tpu.vector_store %arg9[%swap3A, %swap3A_45], %add3A_44 {strides = array<i32>} : memref<2000x128xf32, #tpu.memory_space<vmem>>, vector<2000x128xf32>,
    return
  }
  func.func @transform_0(%arg0: i32) -> (i32, i32) {
    %c0_i32 = arith.constant 0 : i32
    %c0_i32_0 = arith.constant 0 : i32
    return %arg0, %c0_i32 : i32, i32
  }
  func.func @transform_1(%arg0: i32) -> (i32, i32, i32) {
    %c0_i32 = arith.constant 0 : i32
    %c0_i32_0 = arith.constant 0 : i32
    %c0_i32_1 = arith.constant 0 : i32
    return %c0_i32, %arg0, %c0_i32_0 : i32, i32, i32
  }
  func.func @transform_2(%arg0: i32) -> (i32, i32) {
    %c0_i32 = arith.constant 0 : i32
    %c0_i32_0 = arith.constant 0 : i32
    %c0_i32_1 = arith.constant 0 : i32
    return %c0_i32, %c0_i32_0 : i32, i32
  }
  func.func @transform_3(%arg0: i32) -> (i32, i32) {
    %c0_i32 = arith.constant 0 : i32
    %c0_i32_0 = arith.constant 0 : i32
    %c0_i32_1 = arith.constant 0 : i32
    return %c0_i32, %c0_i32_0 : i32, i32
  }
  func.func @transform_4(%arg0: i32) -> (i32, i32) {
    %c0_i32 = arith.constant 0 : i32
    %c0_i32_0 = arith.constant 0 : i32
    %c0_i32_1 = arith.constant 0 : i32
    return %c0_i32, %c0_i32_0 : i32, i32
  }
  func.func @transform_5(%arg0: i32) -> (i32, i32) {
    %c0_i32 = arith.constant 0 : i32
    %c0_i32_0 = arith.constant 0 : i32
    %c0_i32_1 = arith.constant 0 : i32
    return %c0_i32, %c0_i32_0 : i32, i32
  }
  func.func @transform_6(%arg0: i32) -> (i32, i32) {
    %c0_i32 = arith.constant 0 : i32
    %c0_i32_0 = arith.constant 0 : i32
    %c0_i32_1 = arith.constant 0 : i32
    return %c0_i32, %c0_i32_0 : i32, i32
  }
  func.func @transform_7(%arg0: i32) -> (i32, i32) {
    %c0_i32 = arith.constant 0 : i32
    %c0_i32_0 = arith.constant 0 : i32
    %c0_i32_1 = arith.constant 0 : i32
    return %c0_i32, %c0_i32_0 : i32, i32
  }
  func.func @transform_8(%arg0: i32) -> (i32, i32) {
    %c0_i32 = arith.constant 0 : i32
    %c0_i32_0 = arith.constant 0 : i32
    return %arg0, %c0_i32 : i32, i32
  }
}

</mosaic_0001>

<sc_bundles>
// kernel: kernel.4.cloned.1.call-start
scs
__scs_entry_jumppad:
0x0: {  	(pc) =	sbr.rel $0x88, $3  }
0x1: {  	(tag) =	ssettag $0x0;
	lr =	simm.s32 $0x1  }
0x2: {  	[smem:$0x3F98] =	sst lr;
	_ =	strace $0xD0000000  }
0x3: {  	_ = 	snop  }
0x4: {  	_ = 	snop  }
0x5: {  	_ = 	snop  }
0x6: {  	_ = 	snop  }
0x7: {  	_ = 	snop  }
__scs_overlays_trampoline_lowered:
0x8: {  	[smem:$0x3FA7] =	sst s0  }
0x9: {  	[smem:$0x3FA8] =	sst s1  }
0xa: {  	[smem:$0x3FA9] =	sst s2  }
0xb: {  	[smem:$0x3FAA] =	sst s3  }
0xc: {  	[smem:$0x3FAB] =	sst s4  }
0xd: {  	[smem:$0x3FAC] =	sst s5  }
0xe: {  	[smem:$0x3FAD] =	sst s6  }
0xf: {  	[smem:$0x3FAE] =	sst s7  }
0x10: {  	[smem:$0x3FAF] =	sst s8  }
0x11: {  	[smem:$0x3FB0] =	sst s9;
	s0 =	simm.s32 @!p0 $0x0  }
0x12: {  	s1 =	sld [smem:$0x3F96];
	s0 =	simm.s32 @p0 $0x1  }
0x13: {  	[smem:$0x3FB1] =	sst s0;
	s0 =	simm.s32 @!p1 $0x0  }
0x14: {  	s2 =	sld [smem:$0x3F95];
	s0 =	simm.s32 @p1 $0x1  }
0x15: {  	[smem:$0x3FB2] =	sst s0;
	s0 =	simm.s32 @!p2 $0x0  }
0x16: {  	s3 =	sld [smem:$0x3FDB];
	s0 =	simm.s32 @p2 $0x1  }
0x17: {  	s4 =	simm.s32 $0x1BF5;
	[smem:$0x3FB4] =	sst s0  }
0x18: {  	s0 =	sld [smem:$0x3F97];
	_ =	swait.ge [sflag:s4], $0x0  }
0x19: {  	s7 =	sld [smem:$0x3F98]  }
0x1a: {  	s8 =	sadd.s32 $0xFFFFE003, lr  }
0x1b: {  	s9 =	sadd.s32 $0xFFFFFEF7, lr;
	s5 =	simm.s32 $0xFFFFFFFF;
	p2 =	slt.u32 s8, $0xFFFFF086  }
0x1c: {  	p1 =	slt.u32 s9, $0xF7A;
	s5 =	simm.s32 @!p2 $0x0  }
0x1d: {  	s5 =	simm.s32 @p1 $0x1;
	p0 =	seq.s32 s7, s2  }
0x1e: {  	s7 =	smul.u32 @!p0 $0xF7A, s2;
	p2 =	seq.s32 @!p0 s5, $0x0  }
0x1f: {  	s9 =	smul.u32 $0xF7A, s1;
	s8 =	simm.s32 @!p0 $0x1BF5;
	p2 =	por !p2, p0  }
0x20: {  	[sflag:s8] =	ssyncset.s32 @!p0 $0xFFFFF086;
	s6 =	sadd.s32 @!p0 s3, s7;
	s7 =	simm.s32 @!p0 $0x108  }
0x21: {  	s3 =	sadd.s32 s3, s9;
	s6 =	sadd.s32 @!p0 $0x88, s6;
	s7 =	simm.s32 @p2 $0x1082  }
0x22: {  	[simem:s7], [sflag:s8] =	dma.local @!p0 [hbm:s6], $0xF7A  }
0x23: {  	s9 =	sor.u32 $0xD0000000, s2;
	s6 =	simm.s32 $0x108;
	_ =	swait.ge @!p0 [sflag:s8], $0x0  }
0x24: {  	s3 =	sadd.s32 $0x88, s3;
	s6 =	simm.s32 @!p1 $0x1082;
	[sflag:s4] =	ssyncset.s32 $0xFFFFF086  }
0x25: {  	[simem:s6], [sflag:s4] =	dma.local [hbm:s3], $0xF7A  }
0x26: {  	[smem:$0x3F98] =	sst s1;
	(tag) =	ssettag s2;
	_ =	strace s9  }
0x27: {  	s1 =	sld [smem:$0x3FA8]  }
0x28: {  	s2 =	sld [smem:$0x3FA9]  }
0x29: {  	s4 =	sld [smem:$0x3FAB]  }
0x2a: {  	p0 =	seq.s32 s5, $0x0;
	s5 =	sld [smem:$0x3FAC]  }
0x2b: {  	s6 =	sld [smem:$0x3FAD]  }
0x2c: {  	s7 =	sld [smem:$0x3FAE]  }
0x2d: {  	s3 =	simm.s32 $0x108;
	s8 =	sld [smem:$0x3FAF]  }
0x2e: {  	s3 =	simm.s32 @!p0 $0x1082;
	s9 =	sld [smem:$0x3FB0]  }
0x2f: {  	lr =	sadd.s32 s0, s3;
	s0 =	sld [smem:$0x3FA7]  }
0x30: {  	s3 =	sld [smem:$0x3FAA]  }
0x31: {  	[smem:$0x3FB3] =	sst s10  }
0x32: {  	s10 =	sld [smem:$0x3FB1];
	_ =	sdelay $0x3  }
0x33: {  	p0 =	seq.s32 s10, $0x1;
	s10 =	sld [smem:$0x3FB3];
	_ =	sdelay $0x3  }
0x34: {  	[smem:$0x3FB3] =	sst s10  }
0x35: {  	s10 =	sld [smem:$0x3FB2];
	_ =	sdelay $0x3  }
0x36: {  	p1 =	seq.s32 s10, $0x1;
	s10 =	sld [smem:$0x3FB3];
	_ =	sdelay $0x3  }
0x37: {  	[smem:$0x3FB3] =	sst s10  }
0x38: {  	s10 =	sld [smem:$0x3FB4]  }
0x39: {  	_ = 	snop;
	(pc) =	sbr.ind lr, $3  }
0x3a: {  	_ = 	snop  }
0x3b: {  	_ = 	snop  }
0x3c: {  	p2 =	seq.s32 s10, $0x1;
	s10 =	sld [smem:$0x3FB3]  }
0x3d: {  	_ =	shalt  }
0x3e: {  	_ =	shalt  }
0x3f: {  	_ =	shalt  }
0x40: {  	_ =	shalt  }
0x41: {  	_ =	shalt  }
0x42: {  	_ =	shalt  }
0x43: {  	_ =	shalt  }
0x44: {  	_ =	shalt  }
0x45: {  	_ =	shalt  }
0x46: {  	_ =	shalt  }
0x47: {  	_ =	shalt  }
0x48: {  	_ =	shalt  }
0x49: {  	_ =	shalt  }
0x4a: {  	_ =	shalt  }
0x4b: {  	_ =	shalt  }
0x4c: {  	_ =	shalt  }
0x4d: {  	_ =	shalt  }
0x4e: {  	_ =	shalt  }
0x4f: {  	_ =	shalt  }
0x50: {  	_ =	shalt  }
0x51: {  	_ =	shalt  }
0x52: {  	_ =	shalt  }
0x53: {  	_ =	shalt  }
0x54: {  	_ =	shalt  }
0x55: {  	_ =	shalt  }
0x56: {  	_ =	shalt  }
0x57: {  	_ =	shalt  }
0x58: {  	_ =	shalt  }
0x59: {  	_ =	shalt  }
0x5a: {  	_ =	shalt  }
0x5b: {  	_ =	shalt  }
0x5c: {  	_ =	shalt  }
0x5d: {  	_ =	shalt  }
0x5e: {  	_ =	shalt  }
0x5f: {  	_ =	shalt  }
0x60: {  	_ =	shalt  }
0x61: {  	_ =	shalt  }
0x62: {  	_ =	shalt  }
0x63: {  	_ =	shalt  }
0x64: {  	_ =	shalt  }
0x65: {  	_ =	shalt  }
0x66: {  	_ =	shalt  }
0x67: {  	_ =	shalt  }
0x68: {  	_ =	shalt  }
0x69: {  	_ =	shalt  }
0x6a: {  	_ =	shalt  }
0x6b: {  	_ =	shalt  }
0x6c: {  	_ =	shalt  }
0x6d: {  	_ =	shalt  }
0x6e: {  	_ =	shalt  }
0x6f: {  	_ =	shalt  }
0x70: {  	_ =	shalt  }
0x71: {  	_ =	shalt  }
0x72: {  	_ =	shalt  }
0x73: {  	_ =	shalt  }
0x74: {  	_ =	shalt  }
0x75: {  	_ =	shalt  }
0x76: {  	_ =	shalt  }
0x77: {  	_ =	shalt  }
0x78: {  	_ =	shalt  }
0x79: {  	_ =	shalt  }
0x7a: {  	_ =	shalt  }
0x7b: {  	_ =	shalt  }
0x7c: {  	_ =	shalt  }
0x7d: {  	_ =	shalt  }
0x7e: {  	_ =	shalt  }
0x7f: {  	_ =	shalt  }
0x80: {  	_ =	shalt  }
0x81: {  	_ =	shalt  }
0x82: {  	_ =	shalt  }
0x83: {  	_ =	shalt  }
0x84: {  	_ =	shalt  }
0x85: {  	_ =	shalt  }
0x86: {  	_ =	shalt  }
0x87: {  	_ =	shalt  }
.Lfunc_end0:
.L_simem_size_0:
called_computation_lowered:
.L_overlay_start_0:
0x88: {  	s2 =	sld [smem:$0x3FD9]  }
0x89: {  	s3 =	sld [smem:$0x3FFE];
	_ =	sdelay $0x1  }
0x8a: {  	s1 =	srdreg.scid  }
0x8b: {  	s0 =	sand.u32 $0x1, s1  }
0x8c: {  	s17 =	sshll.u32 s0, $0xA;
	s2 =	sadd.s32 s3, s2  }
0x8d: {  	s2 =	sadd.s32 s2, s17  }
0x8e: {  	[smem:$0x3FBF] =	sst s2  }
0x8f: {  	_ = 	snop  }
0x90: {  	s2 =	sld [smem:$0x3FC9]  }
0x91: {  	s18 =	sld [smem:$0x3FD0];
	(tm) =	ssettm $0x1  }
0x92: {  	s4 =	sld [smem:$0x3FFB];
	_ =	sdelay $0x3  }
0x93: {  	_ =	strace s4  }
0x94: {  	s4 =	sld [smem:$0x3FFC];
	_ =	sdelay $0x3  }
0x95: {  	_ =	strace s4  }
0x96: {  	s4 =	sld [smem:$0x3FFD];
	_ =	sdelay $0x3  }
0x97: {  	_ =	strace s4  }
0x98: {  	_ =	strace $0x8FFFFFFF  }
0x99: {  	s19 =	sld [smem:$0x3FDB];
	_ =	sdelay $0x1  }
0x9a: {  	s5 =	simm.s32 $_scs_section_size  }
0x9b: {  	s6 =	simm.s32 $_size__tile_overlayer_lowered;
	s7 =	simm.s32 $_tile_overlayer_lowered  }
0x9c: {  	s22 =	simm.s32 $0x1BFF;
	s21 =	sshll.u32 s7, $0x1;
	s4 =	sadd.s32 s5, s19  }
0x9d: {  	s8 =	simm.s32 $0x0;
	s20 =	sshll.u32 s6, $0x1;
	s6 =	sadd.s32 s21, s4  }
0x9e: {  	[timem:s8], [sflag:s22] =	dma.local [hbm:s6], s20  }
0x9f: {  	_ =	swait.ge [sflag:s22], s20  }
0xa0: {  	s5 =	ssub.s32 $0x0, s20;
	[sflag:s22] =	ssyncset.done $0x0  }
0xa1: {  	[sflag:s22] =	ssyncadd.s32 s5;
	_ =	sdelay $0x1  }
0xa2: {  	s23 =	simm.s32 $0x1B8B  }
0xa3: {  	_ =	swait.ge [sflag:s23], $0x1  }
0xa4: {  	[sflag:s23] =	ssyncset.done $0x0  }
0xa5: {  	s25 =	simm.s32 $0x1B8E;
	s24 =	sld [smem:$0x3FFE];
	[sflag:s23] =	ssyncadd.s32 $0xFFFFFFFF  }
0xa6: {  	s26 =	simm.s32 $execute0_lowered;
	[smem:$0x3FD2] =	sst s25  }
0xa7: {  	s6 =	sshll.u32 s26, $0x1;
	_ =	strace $0x80000046;
	[dreg:$0x1] =	wrdreg $0xFFFFFFFF  }
0xa8: {  	s28 =	simm.s32 $_size_execute0_lowered;
	s4 =	sadd.s32 s4, s6;
	[dreg:$0x0] =	wrdreg $0x0  }
0xa9: {  	s6 =	sshll.u32 s28, $0x1;
	[dreg:$0x2] =	wrdreg s4  }
0xaa: {  	[dreg:$0x3] =	wrdreg s6  }
0xab: {  	[dreg:$0x4] =	wrdreg $0xC0  }
0xac: {  	_ =	task [dreg:s8], $0x5FFFF  }
0xad: {  	[dreg:$0x1] =	wrdreg $0xFFFFFFFF  }
0xae: {  	[dreg:$0x0] =	wrdreg $0x60  }
0xaf: {  	[dreg:$0x2] =	wrdreg s18  }
0xb0: {  	[dreg:$0x3] =	wrdreg s24  }
0xb1: {  	[dreg:$0x4] =	wrdreg s2  }
0xb2: {  	[dreg:$0x5] =	wrdreg $0x98000  }
0xb3: {  	[dreg:$0x6] =	wrdreg $0x9  }
0xb4: {  	_ =	task.clear_ibuf [dreg:s8], $0x7FFFF;
	_ =	strace $0x90000046  }
0xb5: {  	s29 =	simm.s32 $0x9;
	_ =	strace $0x80000048  }
0xb6: {  	_ =	swait.ge [sflag:s29], $0x1  }
0xb7: {  	[sflag:s29] =	ssyncadd.s32 $0xFFFFFFFF  }
0xb8: {  	_ =	strace $0x90000048  }
0xb9: {  	_ =	sfence  }
0xba: {  	s30 =	sld [smem:$0x0];
	_ =	sdelay $0x2  }
0xbb: {  	s31 =	sshll.u32 s1, $0xD;
	s1 =	sshrl.u32 s1, $0x2  }
0xbc: {  	s3 =	sand.u32 $0x4000, s31;
	s1 =	sadd.s32 s1, s30  }
0xbd: {  	s0 =	sor.u32 s3, s0;
	s1 =	sshll.u32 s1, $0x11  }
0xbe: {  	s0 =	sor.u32 s1, s0  }
0xbf: {  	s0 =	sadd.s32 $0x8F2B, s0  }
0xc0: {  	[sflag:s0] =	ssyncadd.remote.s32 $0x1  }
0xc1: {  	_ =	sfence.sel $0xFFFF  }
0xc2: {  	[dreg:$0x0] =	wrdreg $0xFFFFFFFF;
	(pc) =	sbr.abs _section_cstart, $3  }
0xc3: {  	[dreg:$0x1] =	wrdreg $0xFFFFFFFF  }
0xc4: {  	_ =	task.clear_ibuf [dreg:s8], $0x2FFFF;
	_ =	strace $0x9FFFFFFF  }
0xc5: {  	(tm) =	ssettm $0x7FFFFFFF  }
tec
execute0_lowered:
.L_overlay_start_1:
0x0: {  	(tag) =	ssettag $0x1  }
0x1: {  	s0 =	srdreg.scid;
	s8 =	stileid.u32  }
0x2: {  	s1 =	rddreg [dreg:$0x0];
	s0 =	sand.u32 $0x1, s0;
	s6 =	smul.u32 $0x5000, s8  }
0x3: {  	s5 =	rddreg [dreg:$0x1];
	s4 =	smul.u32 $0x50000, s0  }
0x4: {  	s2 =	rddreg [dreg:$0x2]  }
0x5: {  	s3 =	rddreg [dreg:$0x3];
	s6 =	sadd.s32 s6, s4;
	s4 =	simm.s32 $0x0  }
0x6: {  	s24 =	simm.s32 $0x80;
	[smem:$0x7FF] =	sst s4  }
0x7: {  	s25 =	simm.s32 $0x100;
	_ =	strace $0x80000047;
	[dreg:$0x7] =	wrdreg s24  }
0x8: {  	s26 =	simm.s32 $0x1080;
	[dreg:$0x8] =	wrdreg s25  }
0x9: {  	s9 =	simm.s32 $0x200;
	[dreg:$0x9] =	wrdreg s26  }
0xa: {  	s10 =	simm.s32 $0x1180;
	[dreg:$0xc] =	wrdreg s9  }
0xb: {  	s11 =	simm.s32 $0x280;
	[dreg:$0xd] =	wrdreg s10  }
0xc: {  	s12 =	simm.s32 $0x1200;
	[dreg:$0xe] =	wrdreg s11  }
0xd: {  	s13 =	simm.s32 $0x300;
	s15 =	simm.s32 $0x1280;
	[dreg:$0xf] =	wrdreg s12  }
0xe: {  	s16 =	simm.s32 $0x380;
	s17 =	simm.s32 $0x1300;
	[dreg:$0x10] =	wrdreg s13  }
0xf: {  	s18 =	simm.s32 $0x400;
	s20 =	simm.s32 $0x1380;
	[dreg:$0x11] =	wrdreg s15  }
0x10: {  	s21 =	simm.s32 $0x480;
	s23 =	simm.s32 $0x1400;
	[dreg:$0x12] =	wrdreg s16  }
0x11: {  	s28 =	simm.s32 $0x1A80;
	s29 =	simm.s32 $0xB80;
	[dreg:$0x13] =	wrdreg s17  }
0x12: {  	s14 =	smul.u32 $0x27100, s0;
	s0 =	ssub.s32 $0x2, s0;
	[dreg:$0x14] =	wrdreg s18  }
0x13: {  	s30 =	simm.s32 $0x1B00;
	s19 =	sshrl.u32 s0, $0x1;
	[dreg:$0x15] =	wrdreg s20  }
0x14: {  	s31 =	simm.s32 $0xC00;
	s0 =	ssub.s32 s0, s19;
	[dreg:$0x16] =	wrdreg s21  }
0x15: {  	s22 =	ssub.s32 $0x8C, s8;
	s0 =	smax.u32 s0, $0x1;
	[dreg:$0x17] =	wrdreg s23  }
0x16: {  	s19 =	simm.s32 $0x1700;
	s6 =	sshrl.u32 s6, $0x3;
	[smem:$0x7EF] =	sst s0  }
0x17: {  	s7 =	sadd.s32 s6, s5;
	s1 =	sadd.s32 s6, s1;
	[smem:$0x7F5] =	sst s19  }
0x18: {  	s6 =	simm.s32 $0x180;
	s5 =	sadd.s32 s14, s5;
	[dreg:$0x6] =	wrdreg s1  }
0x19: {  	s24 =	simm.s32 $0x500;
	s25 =	smul.u32 $0xA000, s8;
	[dreg:$0xa] =	wrdreg s6  }
0x1a: {  	s26 =	simm.s32 $0x1480;
	s9 =	simm.s32 $0x1500;
	[dreg:$0x18] =	wrdreg s24  }
0x1b: {  	s10 =	smul.u32 $0x500, s8;
	s11 =	simm.s32 $0x600;
	[dreg:$0x19] =	wrdreg s26  }
0x1c: {  	s12 =	simm.s32 $0x1580;
	s14 =	simm.s32 $0x680;
	[dreg:$0x1b] =	wrdreg s9  }
0x1d: {  	s15 =	simm.s32 $0x1600;
	s16 =	simm.s32 $0x700;
	[dreg:$0x1c] =	wrdreg s11  }
0x1e: {  	s17 =	simm.s32 $0x1680;
	s18 =	simm.s32 $0x780;
	[dreg:$0x1d] =	wrdreg s12  }
0x1f: {  	s20 =	simm.s32 $0x800;
	s21 =	simm.s32 $0x1780;
	[dreg:$0x1e] =	wrdreg s14  }
0x20: {  	s23 =	simm.s32 $0x1800;
	s19 =	simm.s32 $0x5;
	[dreg:$0x1f] =	wrdreg s15  }
0x21: {  	s0 =	simm.s32 $0x1C00;
	s7 =	sadd.s32 $0x1200, s7;
	[smem:$0x7F2] =	sst s16  }
0x22: {  	s1 =	simm.s32 $0x580;
	s9 =	simm.s32 $0x2000;
	[smem:$0x7F3] =	sst s17  }
0x23: {  	s11 =	simm.s32 $0x1000;
	s12 =	simm.s32 $0x50;
	[smem:$0x7F4] =	sst s18  }
0x24: {  	s14 =	simm.s32 $0x1;
	[smem:$0x7F6] =	sst s20;
	s15 =	simm.s32 $0x7000  }
0x25: {  	[smem:$0x7F7] =	sst s21;
	s16 =	simm.s32 $0x2;
	s17 =	simm.s32 $0x4  }
0x26: {  	[smem:$0x7F9] =	sst s23;
	s24 =	simm.s32 $0x900;
	s18 =	simm.s32 $0x3  }
0x27: {  	s26 =	simm.s32 $0x980;
	s20 =	simm.s32 $0x6;
	[dreg:$0x5] =	wrdreg s7  }
0x28: {  	s21 =	simm.s32 $0x1900;
	s23 =	simm.s32 $0x1980;
	[dreg:$0x1a] =	wrdreg s1  }
0x29: {  	s7 =	simm.s32 $0x1100;
	s6 =	sshrl.u32 s25, $0x2;
	[smem:$0x7FA] =	sst s24  }
0x2a: {  	s13 =	sadd.s32 s10, s5;
	s10 =	simm.s32 $0x7;
	[smem:$0x7FC] =	sst s26  }
0x2b: {  	s25 =	simm.s32 $0x1880;
	s24 =	simm.s32 $0xA80;
	[dreg:$0xb] =	wrdreg s7  }
0x2c: {  	s26 =	simm.s32 $0xB00;
	s1 =	sadd.s32 s6, s3;
	[smem:$0x7FB] =	sst s25  }
0x2d: {  	s7 =	sshrl.u32 s22, $0x4;
	s22 =	simm.s32 $0x880;
	[smem:$0x7F0] =	sst s1  }
0x2e: {  	s25 =	simm.s32 $0x1A00;
	s6 =	simm.s32 $0x0;
	[smem:$0x7F8] =	sst s22  }
0x2f: {  	s1 =	sadd.s32 $0x15200, s13;
	s13 =	simm.s32 $0x4800;
	[smem:$0x7FD] =	sst s7  }
0x30: {  	v0 =	vimm.f32 $0.0e+00;
	s22 =	simm.s32 $0xA00;
	[smem:$0x7F1] =	sst s1;
	s1 =	simm.s32 $0x1B80  }
.LBB2_1:
0x31: {  	[smem:$0x7EE] =	sst s6;
	s5 =	simm.s32 $0x0;
	s8 =	simm.s32 $0x200  }
.LBB2_2:
0x32: {  	p0 =	sne.s32 s8, $0x9E00;
	[tilespmem:s5+$0x2070] =	vst v0  }
0x33: {  	[tilespmem:s5+$0x2000] =	vst v0  }
0x34: {  	[tilespmem:s5+$0x2010] =	vst v0  }
.Ltmp0:
0x35: {  	[tilespmem:s5+$0x2020] =	vst v0;
	(pc) =	sbr.rel @p0 .LBB2_2-.Ltmp0, $4  }
0x36: {  	[tilespmem:s5+$0x2030] =	vst v0  }
0x37: {  	[tilespmem:s5+$0x2040] =	vst v0  }
0x38: {  	[tilespmem:s5+$0x2050] =	vst v0  }
0x39: {  	[tilespmem:s5+$0x2060] =	vst v0;
	s5 =	sshra.s32 s8, $0x2;
	s8 =	sadd.s32 $0x200, s8  }
0x3a: {  	[tilespmem:s5+$0x2070] =	vst v0  }
0x3b: {  	[tilespmem:s5+$0x2000] =	vst v0  }
0x3c: {  	[tilespmem:s5+$0x2010] =	vst v0  }
0x3d: {  	[tilespmem:s5+$0x2020] =	vst v0  }
0x3e: {  	[tilespmem:s5+$0x2030] =	vst v0  }
0x3f: {  	[tilespmem:s5+$0x2040] =	vst v0;
	s6 =	sld [smem:$0x7F0];
	p0 =	sne.s32 s7, $0x1  }
.Ltmp1:
0x40: {  	[tilespmem:s5+$0x2050] =	vst v0;
	(pc) =	sbr.rel @!p0 .LBB2_5-.Ltmp1, $4  }
0x41: {  	[tilespmem:s5+$0x2060] =	vst v0  }
0x42: {  	[spmem:s6] =	stream.linear.scatter [tilespmem:s9], [sflag:$0x7], $0x2800, $0x38;
	[tilespmem:$0x1D0C0] =	vst v63  }
0x43: {  	_ =	swait.ge [sflag:s10], $0x2800  }
0x44: {  	s5 =	sadd.s32 $0xFFFFFFFF, s7;
	[sflag:s10] =	ssyncset.done $0x0  }
.LBB2_4:
0x45: {  	p1 =	sne.s32 s5, $0x1;
	[sflag:s10] =	ssyncadd.s32 $0xFFFFD800;
	s6 =	sadd.s32 $0x28000, s6  }
.Ltmp2:
0x46: {  	s5 =	sadd.s32 $0xFFFFFFFF, s5;
	(pc) =	sbr.rel @p1 .LBB2_4-.Ltmp2, $4  }
0x47: {  	_ = 	snop  }
0x48: {  	[spmem:s6] =	stream.linear.scatter [tilespmem:s9], [sflag:$0x7], $0x2800, $0x38;
	[tilespmem:$0x1D0C0] =	vst v63  }
0x49: {  	_ =	swait.ge [sflag:s10], $0x2800  }
0x4a: {  	[sflag:s10] =	ssyncset.done $0x0  }
.LBB2_5:
0x4b: {  	[sflag:s10] =	ssyncadd.s32 $0xFFFFD800  }
0x4c: {  	[bflag:$0x0] =	sbarrier.arrive $0xFFFF  }
0x4d: {  	s5 =	rddreg [dreg:$0x6]  }
0x4e: {  	s5 =	sadd.s32 $0x0, s5  }
0x4f: {  	[tilespmem:s4], [sflag:$0x7] =	stream.linear.gather [hbm4b:s5+s4], $0xC80, $0x38;
	[tilespmem:$0x1D0C0] =	vst v63  }
0x50: {  	_ =	swait.ge [sflag:s10], $0xC80  }
0x51: {  	s8 =	rddreg [dreg:$0x5];
	[sflag:s10] =	ssyncset.done $0x0  }
0x52: {  	[sflag:s10] =	ssyncadd.s32 $0xFFFFF380;
	s5 =	sadd.s32 $0x0, s8  }
0x53: {  	[tilespmem:s11], [sflag:$0x7] =	stream.linear.gather [hbm4b:s5+s4], $0xC80, $0x38;
	[tilespmem:$0x1D0C0] =	vst v63  }
0x54: {  	_ =	swait.ge [sflag:s10], $0xC80  }
0x55: {  	[sflag:s10] =	ssyncset.done $0x0  }
0x56: {  	[sflag:s10] =	ssyncadd.s32 $0xFFFFF380  }
0x57: {  	[tilespmem:s9], [sflag:$0x1] =	stream.indirect.gather [hbm4b:s2+s12], $0x80, s4, s12, $0xb8;
	[tilespmem:$0x1D0C0] =	vst v63  }
0x58: {  	s6 =	rddreg [dreg:$0x7]  }
0x59: {  	[tilespmem:s13], [sflag:$0x2] =	stream.indirect.gather [hbm4b:s2+s12], $0x80, s6, s12, $0xb8;
	[tilespmem:$0x1D0C0] =	vst v63  }
0x5a: {  	_ =	swait.ge [sflag:s14], $0x2800  }
0x5b: {  	[sflag:s14] =	ssyncset.done $0x0  }
0x5c: {  	[sflag:s14] =	ssyncadd.s32 $0xFFFFD800  }
0x5d: {  	[spmem:s3] =	stream.indirect.scatter.add.f32 [tilespmem:s9], [sflag:$0x4], $0x80, s11, s12, $0xb8;
	[tilespmem:$0x1D0C0] =	vst v63  }
0x5e: {  	s7 =	rddreg [dreg:$0x8]  }
0x5f: {  	[tilespmem:s15], [sflag:$0x3] =	stream.indirect.gather [hbm4b:s2+s12], $0x80, s7, s12, $0xb8;
	[tilespmem:$0x1D0C0] =	vst v63  }
0x60: {  	_ =	swait.ge [sflag:s16], $0x2800  }
0x61: {  	[sflag:s16] =	ssyncset.done $0x0  }
0x62: {  	s8 =	rddreg [dreg:$0x9];
	[sflag:s16] =	ssyncadd.s32 $0xFFFFD800  }
0x63: {  	[spmem:s3] =	stream.indirect.scatter.add.f32 [tilespmem:s13], [sflag:$0x5], $0x80, s8, s12, $0xb8;
	[tilespmem:$0x1D0C0] =	vst v63  }
0x64: {  	_ =	swait.ge [sflag:s17], $0x2800  }
0x65: {  	[sflag:s17] =	ssyncset.done $0x0  }
0x66: {  	s6 =	rddreg [dreg:$0xa];
	[sflag:s17] =	ssyncadd.s32 $0xFFFFD800  }
0x67: {  	[tilespmem:s9], [sflag:$0x1] =	stream.indirect.gather [hbm4b:s2+s12], $0x80, s6, s12, $0xb8;
	[tilespmem:$0x1D0C0] =	vst v63  }
0x68: {  	_ =	swait.ge [sflag:s18], $0x2800  }
0x69: {  	[sflag:s18] =	ssyncset.done $0x0  }
0x6a: {  	s7 =	rddreg [dreg:$0xb];
	[sflag:s18] =	ssyncadd.s32 $0xFFFFD800  }
0x6b: {  	[spmem:s3] =	stream.indirect.scatter.add.f32 [tilespmem:s15], [sflag:$0x6], $0x80, s7, s12, $0xb8;
	[tilespmem:$0x1D0C0] =	vst v63  }
0x6c: {  	_ =	swait.ge [sflag:s19], $0x2800  }
0x6d: {  	[sflag:s19] =	ssyncset.done $0x0  }
0x6e: {  	s8 =	rddreg [dreg:$0xc];
	[sflag:s19] =	ssyncadd.s32 $0xFFFFD800  }
0x6f: {  	[tilespmem:s13], [sflag:$0x2] =	stream.indirect.gather [hbm4b:s2+s12], $0x80, s8, s12, $0xb8;
	[tilespmem:$0x1D0C0] =	vst v63  }
0x70: {  	_ =	swait.ge [sflag:s14], $0x2800  }
0x71: {  	[sflag:s14] =	ssyncset.done $0x0  }
0x72: {  	s6 =	rddreg [dreg:$0xd];
	[sflag:s14] =	ssyncadd.s32 $0xFFFFD800  }
0x73: {  	[spmem:s3] =	stream.indirect.scatter.add.f32 [tilespmem:s9], [sflag:$0x4], $0x80, s6, s12, $0xb8;
	[tilespmem:$0x1D0C0] =	vst v63  }
0x74: {  	_ =	swait.ge [sflag:s20], $0x2800  }
0x75: {  	[sflag:s20] =	ssyncset.done $0x0  }
0x76: {  	s7 =	rddreg [dreg:$0xe];
	[sflag:s20] =	ssyncadd.s32 $0xFFFFD800  }
0x77: {  	[tilespmem:s15], [sflag:$0x3] =	stream.indirect.gather [hbm4b:s2+s12], $0x80, s7, s12, $0xb8;
	[tilespmem:$0x1D0C0] =	vst v63  }
0x78: {  	_ =	swait.ge [sflag:s16], $0x2800  }
0x79: {  	[sflag:s16] =	ssyncset.done $0x0  }
0x7a: {  	s8 =	rddreg [dreg:$0xf];
	[sflag:s16] =	ssyncadd.s32 $0xFFFFD800  }
0x7b: {  	[spmem:s3] =	stream.indirect.scatter.add.f32 [tilespmem:s13], [sflag:$0x5], $0x80, s8, s12, $0xb8;
	[tilespmem:$0x1D0C0] =	vst v63  }
0x7c: {  	_ =	swait.ge [sflag:s17], $0x2800  }
0x7d: {  	[sflag:s17] =	ssyncset.done $0x0  }
0x7e: {  	s6 =	rddreg [dreg:$0x10];
	[sflag:s17] =	ssyncadd.s32 $0xFFFFD800  }
0x7f: {  	[tilespmem:s9], [sflag:$0x1] =	stream.indirect.gather [hbm4b:s2+s12], $0x80, s6, s12, $0xb8;
	[tilespmem:$0x1D0C0] =	vst v63  }
0x80: {  	_ =	swait.ge [sflag:s18], $0x2800  }
0x81: {  	[sflag:s18] =	ssyncset.done $0x0  }
0x82: {  	s7 =	rddreg [dreg:$0x11];
	[sflag:s18] =	ssyncadd.s32 $0xFFFFD800  }
0x83: {  	[spmem:s3] =	stream.indirect.scatter.add.f32 [tilespmem:s15], [sflag:$0x6], $0x80, s7, s12, $0xb8;
	[tilespmem:$0x1D0C0] =	vst v63  }
0x84: {  	_ =	swait.ge [sflag:s19], $0x2800  }
0x85: {  	[sflag:s19] =	ssyncset.done $0x0  }
0x86: {  	s8 =	rddreg [dreg:$0x12];
	[sflag:s19] =	ssyncadd.s32 $0xFFFFD800  }
0x87: {  	[tilespmem:s13], [sflag:$0x2] =	stream.indirect.gather [hbm4b:s2+s12], $0x80, s8, s12, $0xb8;
	[tilespmem:$0x1D0C0] =	vst v63  }
0x88: {  	_ =	swait.ge [sflag:s14], $0x2800  }
0x89: {  	[sflag:s14] =	ssyncset.done $0x0  }
0x8a: {  	s6 =	rddreg [dreg:$0x13];
	[sflag:s14] =	ssyncadd.s32 $0xFFFFD800  }
0x8b: {  	[spmem:s3] =	stream.indirect.scatter.add.f32 [tilespmem:s9], [sflag:$0x4], $0x80, s6, s12, $0xb8;
	[tilespmem:$0x1D0C0] =	vst v63  }
0x8c: {  	_ =	swait.ge [sflag:s20], $0x2800  }
0x8d: {  	[sflag:s20] =	ssyncset.done $0x0  }
0x8e: {  	s7 =	rddreg [dreg:$0x14];
	[sflag:s20] =	ssyncadd.s32 $0xFFFFD800  }
0x8f: {  	[tilespmem:s15], [sflag:$0x3] =	stream.indirect.gather [hbm4b:s2+s12], $0x80, s7, s12, $0xb8;
	[tilespmem:$0x1D0C0] =	vst v63  }
0x90: {  	_ =	swait.ge [sflag:s16], $0x2800  }
0x91: {  	[sflag:s16] =	ssyncset.done $0x0  }
0x92: {  	s8 =	rddreg [dreg:$0x15];
	[sflag:s16] =	ssyncadd.s32 $0xFFFFD800  }
0x93: {  	[spmem:s3] =	stream.indirect.scatter.add.f32 [tilespmem:s13], [sflag:$0x5], $0x80, s8, s12, $0xb8;
	[tilespmem:$0x1D0C0] =	vst v63  }
0x94: {  	_ =	swait.ge [sflag:s17], $0x2800  }
0x95: {  	[sflag:s17] =	ssyncset.done $0x0  }
0x96: {  	s6 =	rddreg [dreg:$0x16];
	[sflag:s17] =	ssyncadd.s32 $0xFFFFD800  }
0x97: {  	[tilespmem:s9], [sflag:$0x1] =	stream.indirect.gather [hbm4b:s2+s12], $0x80, s6, s12, $0xb8;
	[tilespmem:$0x1D0C0] =	vst v63  }
0x98: {  	_ =	swait.ge [sflag:s18], $0x2800  }
0x99: {  	[sflag:s18] =	ssyncset.done $0x0  }
0x9a: {  	s7 =	rddreg [dreg:$0x17];
	[sflag:s18] =	ssyncadd.s32 $0xFFFFD800  }
0x9b: {  	[spmem:s3] =	stream.indirect.scatter.add.f32 [tilespmem:s15], [sflag:$0x6], $0x80, s7, s12, $0xb8;
	[tilespmem:$0x1D0C0] =	vst v63  }
0x9c: {  	_ =	swait.ge [sflag:s19], $0x2800  }
0x9d: {  	[sflag:s19] =	ssyncset.done $0x0  }
0x9e: {  	s8 =	rddreg [dreg:$0x18];
	[sflag:s19] =	ssyncadd.s32 $0xFFFFD800  }
0x9f: {  	[tilespmem:s13], [sflag:$0x2] =	stream.indirect.gather [hbm4b:s2+s12], $0x80, s8, s12, $0xb8;
	[tilespmem:$0x1D0C0] =	vst v63  }
0xa0: {  	_ =	swait.ge [sflag:s14], $0x2800  }
0xa1: {  	[sflag:s14] =	ssyncset.done $0x0  }
0xa2: {  	s6 =	rddreg [dreg:$0x19];
	[sflag:s14] =	ssyncadd.s32 $0xFFFFD800  }
0xa3: {  	[spmem:s3] =	stream.indirect.scatter.add.f32 [tilespmem:s9], [sflag:$0x4], $0x80, s6, s12, $0xb8;
	[tilespmem:$0x1D0C0] =	vst v63  }
0xa4: {  	_ =	swait.ge [sflag:s20], $0x2800  }
0xa5: {  	[sflag:s20] =	ssyncset.done $0x0  }
0xa6: {  	s7 =	rddreg [dreg:$0x1a];
	[sflag:s20] =	ssyncadd.s32 $0xFFFFD800  }
0xa7: {  	[tilespmem:s15], [sflag:$0x3] =	stream.indirect.gather [hbm4b:s2+s12], $0x80, s7, s12, $0xb8;
	[tilespmem:$0x1D0C0] =	vst v63  }
0xa8: {  	_ =	swait.ge [sflag:s16], $0x2800  }
0xa9: {  	[sflag:s16] =	ssyncset.done $0x0  }
0xaa: {  	s8 =	rddreg [dreg:$0x1b];
	[sflag:s16] =	ssyncadd.s32 $0xFFFFD800  }
0xab: {  	[spmem:s3] =	stream.indirect.scatter.add.f32 [tilespmem:s13], [sflag:$0x5], $0x80, s8, s12, $0xb8;
	[tilespmem:$0x1D0C0] =	vst v63  }
0xac: {  	_ =	swait.ge [sflag:s17], $0x2800  }
0xad: {  	[sflag:s17] =	ssyncset.done $0x0  }
0xae: {  	s6 =	rddreg [dreg:$0x1c];
	[sflag:s17] =	ssyncadd.s32 $0xFFFFD800  }
0xaf: {  	[tilespmem:s9], [sflag:$0x1] =	stream.indirect.gather [hbm4b:s2+s12], $0x80, s6, s12, $0xb8;
	[tilespmem:$0x1D0C0] =	vst v63  }
0xb0: {  	_ =	swait.ge [sflag:s18], $0x2800  }
0xb1: {  	[sflag:s18] =	ssyncset.done $0x0  }
0xb2: {  	s7 =	rddreg [dreg:$0x1d];
	[sflag:s18] =	ssyncadd.s32 $0xFFFFD800  }
0xb3: {  	[spmem:s3] =	stream.indirect.scatter.add.f32 [tilespmem:s15], [sflag:$0x6], $0x80, s7, s12, $0xb8;
	[tilespmem:$0x1D0C0] =	vst v63  }
0xb4: {  	_ =	swait.ge [sflag:s19], $0x2800  }
0xb5: {  	[sflag:s19] =	ssyncset.done $0x0  }
0xb6: {  	s8 =	rddreg [dreg:$0x1e];
	[sflag:s19] =	ssyncadd.s32 $0xFFFFD800  }
0xb7: {  	[tilespmem:s13], [sflag:$0x2] =	stream.indirect.gather [hbm4b:s2+s12], $0x80, s8, s12, $0xb8;
	[tilespmem:$0x1D0C0] =	vst v63  }
0xb8: {  	_ =	swait.ge [sflag:s14], $0x2800  }
0xb9: {  	[sflag:s14] =	ssyncset.done $0x0  }
0xba: {  	s6 =	rddreg [dreg:$0x1f];
	[sflag:s14] =	ssyncadd.s32 $0xFFFFD800  }
0xbb: {  	[spmem:s3] =	stream.indirect.scatter.add.f32 [tilespmem:s9], [sflag:$0x4], $0x80, s6, s12, $0xb8;
	[tilespmem:$0x1D0C0] =	vst v63  }
0xbc: {  	_ =	swait.ge [sflag:s20], $0x2800  }
0xbd: {  	s7 =	sld [smem:$0x7F2]  }
0xbe: {  	[sflag:s20] =	ssyncset.done $0x0  }
0xbf: {  	[sflag:s20] =	ssyncadd.s32 $0xFFFFD800  }
0xc0: {  	[tilespmem:s15], [sflag:$0x3] =	stream.indirect.gather [hbm4b:s2+s12], $0x80, s7, s12, $0xb8;
	[tilespmem:$0x1D0C0] =	vst v63  }
0xc1: {  	_ =	swait.ge [sflag:s16], $0x2800  }
0xc2: {  	s8 =	sld [smem:$0x7F3]  }
0xc3: {  	[sflag:s16] =	ssyncset.done $0x0  }
0xc4: {  	[sflag:s16] =	ssyncadd.s32 $0xFFFFD800  }
0xc5: {  	[spmem:s3] =	stream.indirect.scatter.add.f32 [tilespmem:s13], [sflag:$0x5], $0x80, s8, s12, $0xb8;
	[tilespmem:$0x1D0C0] =	vst v63  }
0xc6: {  	_ =	swait.ge [sflag:s17], $0x2800  }
0xc7: {  	s6 =	sld [smem:$0x7F4]  }
0xc8: {  	[sflag:s17] =	ssyncset.done $0x0  }
0xc9: {  	[sflag:s17] =	ssyncadd.s32 $0xFFFFD800  }
0xca: {  	[tilespmem:s9], [sflag:$0x1] =	stream.indirect.gather [hbm4b:s2+s12], $0x80, s6, s12, $0xb8;
	[tilespmem:$0x1D0C0] =	vst v63  }
0xcb: {  	_ =	swait.ge [sflag:s18], $0x2800  }
0xcc: {  	s7 =	sld [smem:$0x7F5]  }
0xcd: {  	[sflag:s18] =	ssyncset.done $0x0  }
0xce: {  	[sflag:s18] =	ssyncadd.s32 $0xFFFFD800  }
0xcf: {  	[spmem:s3] =	stream.indirect.scatter.add.f32 [tilespmem:s15], [sflag:$0x6], $0x80, s7, s12, $0xb8;
	[tilespmem:$0x1D0C0] =	vst v63  }
0xd0: {  	_ =	swait.ge [sflag:s19], $0x2800  }
0xd1: {  	s8 =	sld [smem:$0x7F6]  }
0xd2: {  	[sflag:s19] =	ssyncset.done $0x0  }
0xd3: {  	[sflag:s19] =	ssyncadd.s32 $0xFFFFD800  }
0xd4: {  	[tilespmem:s13], [sflag:$0x2] =	stream.indirect.gather [hbm4b:s2+s12], $0x80, s8, s12, $0xb8;
	[tilespmem:$0x1D0C0] =	vst v63  }
0xd5: {  	_ =	swait.ge [sflag:s14], $0x2800  }
0xd6: {  	s6 =	sld [smem:$0x7F7]  }
0xd7: {  	[sflag:s14] =	ssyncset.done $0x0  }
0xd8: {  	[sflag:s14] =	ssyncadd.s32 $0xFFFFD800  }
0xd9: {  	[spmem:s3] =	stream.indirect.scatter.add.f32 [tilespmem:s9], [sflag:$0x4], $0x80, s6, s12, $0xb8;
	[tilespmem:$0x1D0C0] =	vst v63  }
0xda: {  	_ =	swait.ge [sflag:s20], $0x2800  }
0xdb: {  	s7 =	sld [smem:$0x7F8]  }
0xdc: {  	[sflag:s20] =	ssyncset.done $0x0  }
0xdd: {  	[sflag:s20] =	ssyncadd.s32 $0xFFFFD800  }
0xde: {  	[tilespmem:s15], [sflag:$0x3] =	stream.indirect.gather [hbm4b:s2+s12], $0x80, s7, s12, $0xb8;
	[tilespmem:$0x1D0C0] =	vst v63  }
0xdf: {  	_ =	swait.ge [sflag:s16], $0x2800  }
0xe0: {  	s8 =	sld [smem:$0x7F9]  }
0xe1: {  	[sflag:s16] =	ssyncset.done $0x0  }
0xe2: {  	[sflag:s16] =	ssyncadd.s32 $0xFFFFD800  }
0xe3: {  	[spmem:s3] =	stream.indirect.scatter.add.f32 [tilespmem:s13], [sflag:$0x5], $0x80, s8, s12, $0xb8;
	[tilespmem:$0x1D0C0] =	vst v63  }
0xe4: {  	_ =	swait.ge [sflag:s17], $0x2800  }
0xe5: {  	s6 =	sld [smem:$0x7FA]  }
0xe6: {  	[sflag:s17] =	ssyncset.done $0x0  }
0xe7: {  	[sflag:s17] =	ssyncadd.s32 $0xFFFFD800  }
0xe8: {  	[tilespmem:s9], [sflag:$0x1] =	stream.indirect.gather [hbm4b:s2+s12], $0x80, s6, s12, $0xb8;
	[tilespmem:$0x1D0C0] =	vst v63  }
0xe9: {  	_ =	swait.ge [sflag:s18], $0x2800  }
0xea: {  	s7 =	sld [smem:$0x7FB]  }
0xeb: {  	[sflag:s18] =	ssyncset.done $0x0  }
0xec: {  	[sflag:s18] =	ssyncadd.s32 $0xFFFFD800  }
0xed: {  	[spmem:s3] =	stream.indirect.scatter.add.f32 [tilespmem:s15], [sflag:$0x6], $0x80, s7, s12, $0xb8;
	[tilespmem:$0x1D0C0] =	vst v63  }
0xee: {  	_ =	swait.ge [sflag:s19], $0x2800  }
0xef: {  	s8 =	sld [smem:$0x7FC]  }
0xf0: {  	[sflag:s19] =	ssyncset.done $0x0  }
0xf1: {  	[sflag:s19] =	ssyncadd.s32 $0xFFFFD800  }
0xf2: {  	[tilespmem:s13], [sflag:$0x2] =	stream.indirect.gather [hbm4b:s2+s12], $0x80, s8, s12, $0xb8;
	[tilespmem:$0x1D0C0] =	vst v63  }
0xf3: {  	_ =	swait.ge [sflag:s14], $0x2800  }
0xf4: {  	[sflag:s14] =	ssyncset.done $0x0  }
0xf5: {  	[sflag:s14] =	ssyncadd.s32 $0xFFFFD800  }
0xf6: {  	[spmem:s3] =	stream.indirect.scatter.add.f32 [tilespmem:s9], [sflag:$0x4], $0x80, s21, s12, $0xb8;
	[tilespmem:$0x1D0C0] =	vst v63  }
0xf7: {  	_ =	swait.ge [sflag:s20], $0x2800  }
0xf8: {  	[sflag:s20] =	ssyncset.done $0x0  }
0xf9: {  	[sflag:s20] =	ssyncadd.s32 $0xFFFFD800  }
0xfa: {  	[tilespmem:s15], [sflag:$0x3] =	stream.indirect.gather [hbm4b:s2+s12], $0x80, s22, s12, $0xb8;
	[tilespmem:$0x1D0C0] =	vst v63  }
0xfb: {  	_ =	swait.ge [sflag:s16], $0x2800  }
0xfc: {  	[sflag:s16] =	ssyncset.done $0x0  }
0xfd: {  	[sflag:s16] =	ssyncadd.s32 $0xFFFFD800  }
0xfe: {  	[spmem:s3] =	stream.indirect.scatter.add.f32 [tilespmem:s13], [sflag:$0x5], $0x80, s23, s12, $0xb8;
	[tilespmem:$0x1D0C0] =	vst v63  }
0xff: {  	_ =	swait.ge [sflag:s17], $0x2800  }
0x100: {  	[sflag:s17] =	ssyncset.done $0x0  }
0x101: {  	[sflag:s17] =	ssyncadd.s32 $0xFFFFD800  }
0x102: {  	[tilespmem:s9], [sflag:$0x1] =	stream.indirect.gather [hbm4b:s2+s12], $0x80, s24, s12, $0xb8;
	[tilespmem:$0x1D0C0] =	vst v63  }
0x103: {  	_ =	swait.ge [sflag:s18], $0x2800  }
0x104: {  	[sflag:s18] =	ssyncset.done $0x0  }
0x105: {  	[sflag:s18] =	ssyncadd.s32 $0xFFFFD800  }
0x106: {  	[spmem:s3] =	stream.indirect.scatter.add.f32 [tilespmem:s15], [sflag:$0x6], $0x80, s25, s12, $0xb8;
	[tilespmem:$0x1D0C0] =	vst v63  }
0x107: {  	_ =	swait.ge [sflag:s19], $0x2800  }
0x108: {  	[sflag:s19] =	ssyncset.done $0x0  }
0x109: {  	[sflag:s19] =	ssyncadd.s32 $0xFFFFD800  }
0x10a: {  	[tilespmem:s13], [sflag:$0x2] =	stream.indirect.gather [hbm4b:s2+s12], $0x80, s26, s12, $0xb8;
	[tilespmem:$0x1D0C0] =	vst v63  }
0x10b: {  	_ =	swait.ge [sflag:s14], $0x2800  }
0x10c: {  	[sflag:s14] =	ssyncset.done $0x0  }
0x10d: {  	[sflag:s14] =	ssyncadd.s32 $0xFFFFD800  }
0x10e: {  	[spmem:s3] =	stream.indirect.scatter.add.f32 [tilespmem:s9], [sflag:$0x4], $0x80, s28, s12, $0xb8;
	[tilespmem:$0x1D0C0] =	vst v63  }
0x10f: {  	_ =	swait.ge [sflag:s20], $0x2800  }
0x110: {  	[sflag:s20] =	ssyncset.done $0x0  }
0x111: {  	[sflag:s20] =	ssyncadd.s32 $0xFFFFD800  }
0x112: {  	[tilespmem:s15], [sflag:$0x3] =	stream.indirect.gather [hbm4b:s2+s12], $0x80, s29, s12, $0xb8;
	[tilespmem:$0x1D0C0] =	vst v63  }
0x113: {  	_ =	swait.ge [sflag:s16], $0x2800  }
0x114: {  	[sflag:s16] =	ssyncset.done $0x0  }
0x115: {  	[sflag:s16] =	ssyncadd.s32 $0xFFFFD800  }
0x116: {  	[spmem:s3] =	stream.indirect.scatter.add.f32 [tilespmem:s13], [sflag:$0x5], $0x80, s30, s12, $0xb8;
	[tilespmem:$0x1D0C0] =	vst v63  }
0x117: {  	_ =	swait.ge [sflag:s17], $0x2800  }
0x118: {  	[sflag:s17] =	ssyncset.done $0x0  }
0x119: {  	[sflag:s17] =	ssyncadd.s32 $0xFFFFD800  }
0x11a: {  	[tilespmem:s9], [sflag:$0x1] =	stream.indirect.gather [hbm4b:s2+s12], $0x80, s31, s12, $0xb8;
	[tilespmem:$0x1D0C0] =	vst v63  }
0x11b: {  	_ =	swait.ge [sflag:s18], $0x2800  }
0x11c: {  	[sflag:s18] =	ssyncset.done $0x0  }
0x11d: {  	[sflag:s18] =	ssyncadd.s32 $0xFFFFD800  }
0x11e: {  	[spmem:s3] =	stream.indirect.scatter.add.f32 [tilespmem:s15], [sflag:$0x6], $0x80, s1, s12, $0xb8;
	[tilespmem:$0x1D0C0] =	vst v63  }
0x11f: {  	_ =	swait.ge [sflag:s14], $0x2800  }
0x120: {  	[sflag:s14] =	ssyncset.done $0x0  }
0x121: {  	[sflag:s14] =	ssyncadd.s32 $0xFFFFD800  }
0x122: {  	[spmem:s3] =	stream.indirect.scatter.add.f32 [tilespmem:s9], [sflag:$0x4], $0x80, s0, s12, $0xb8;
	[tilespmem:$0x1D0C0] =	vst v63  }
0x123: {  	_ =	swait.ge [sflag:s19], $0x2800  }
0x124: {  	[sflag:s19] =	ssyncset.done $0x0  }
0x125: {  	[sflag:s19] =	ssyncadd.s32 $0xFFFFD800  }
0x126: {  	_ =	swait.ge [sflag:s20], $0x2800  }
0x127: {  	[sflag:s20] =	ssyncset.done $0x0  }
0x128: {  	[sflag:s20] =	ssyncadd.s32 $0xFFFFD800  }
0x129: {  	s5 =	simm.s32 $0x400;
	_ =	swait.ge [sflag:s17], $0x2800  }
0x12a: {  	s8 =	simm.s32 $0x200;
	s6 =	rddreg [dreg:$0x6];
	[sflag:s17] =	ssyncset.done $0x0  }
.LBB2_6:
0x12b: {  	[sflag:s17] =	ssyncadd.s32 $0xFFFFD800;
	s6 =	sadd.s32 s8, s6  }
0x12c: {  	[tilespmem:s4], [sflag:$0x7] =	stream.linear.gather [hbm4b:s6+s4], $0xC80, $0x38;
	[tilespmem:$0x1D0C0] =	vst v63  }
0x12d: {  	_ =	swait.ge [sflag:s10], $0xC80  }
0x12e: {  	s6 =	rddreg [dreg:$0x5];
	[sflag:s10] =	ssyncset.done $0x0  }
0x12f: {  	[sflag:s10] =	ssyncadd.s32 $0xFFFFF380;
	s6 =	sadd.s32 s8, s6  }
0x130: {  	[tilespmem:s11], [sflag:$0x7] =	stream.linear.gather [hbm4b:s6+s4], $0xC80, $0x38;
	[tilespmem:$0x1D0C0] =	vst v63  }
0x131: {  	_ =	swait.ge [sflag:s10], $0xC80  }
0x132: {  	[sflag:s10] =	ssyncset.done $0x0  }
0x133: {  	s7 =	smov.u32 s5;
	[sflag:s10] =	ssyncadd.s32 $0xFFFFF380  }
0x134: {  	[tilespmem:s9], [sflag:$0x1] =	stream.indirect.gather [hbm4b:s2+s12], $0x80, s4, s12, $0xb8;
	[tilespmem:$0x1D0C0] =	vst v63  }
0x135: {  	s8 =	smov.u32 s7;
	s7 =	rddreg [dreg:$0x7]  }
0x136: {  	[tilespmem:s13], [sflag:$0x2] =	stream.indirect.gather [hbm4b:s2+s12], $0x80, s7, s12, $0xb8;
	[tilespmem:$0x1D0C0] =	vst v63  }
0x137: {  	_ =	swait.ge [sflag:s14], $0x2800  }
0x138: {  	[sflag:s14] =	ssyncset.done $0x0  }
0x139: {  	[sflag:s14] =	ssyncadd.s32 $0xFFFFD800  }
0x13a: {  	[spmem:s3] =	stream.indirect.scatter.add.f32 [tilespmem:s9], [sflag:$0x4], $0x80, s11, s12, $0xb8;
	[tilespmem:$0x1D0C0] =	vst v63  }
0x13b: {  	s7 =	rddreg [dreg:$0x8]  }
0x13c: {  	[tilespmem:s15], [sflag:$0x3] =	stream.indirect.gather [hbm4b:s2+s12], $0x80, s7, s12, $0xb8;
	[tilespmem:$0x1D0C0] =	vst v63  }
0x13d: {  	_ =	swait.ge [sflag:s16], $0x2800  }
0x13e: {  	[sflag:s16] =	ssyncset.done $0x0  }
0x13f: {  	s7 =	rddreg [dreg:$0x9];
	[sflag:s16] =	ssyncadd.s32 $0xFFFFD800  }
0x140: {  	[spmem:s3] =	stream.indirect.scatter.add.f32 [tilespmem:s13], [sflag:$0x5], $0x80, s7, s12, $0xb8;
	[tilespmem:$0x1D0C0] =	vst v63  }
0x141: {  	_ =	swait.ge [sflag:s17], $0x2800  }
0x142: {  	[sflag:s17] =	ssyncset.done $0x0  }
0x143: {  	s7 =	rddreg [dreg:$0xa];
	[sflag:s17] =	ssyncadd.s32 $0xFFFFD800  }
0x144: {  	[tilespmem:s9], [sflag:$0x1] =	stream.indirect.gather [hbm4b:s2+s12], $0x80, s7, s12, $0xb8;
	[tilespmem:$0x1D0C0] =	vst v63  }
0x145: {  	_ =	swait.ge [sflag:s18], $0x2800  }
0x146: {  	[sflag:s18] =	ssyncset.done $0x0  }
0x147: {  	s7 =	rddreg [dreg:$0xb];
	[sflag:s18] =	ssyncadd.s32 $0xFFFFD800  }
0x148: {  	[spmem:s3] =	stream.indirect.scatter.add.f32 [tilespmem:s15], [sflag:$0x6], $0x80, s7, s12, $0xb8;
	[tilespmem:$0x1D0C0] =	vst v63  }
0x149: {  	_ =	swait.ge [sflag:s19], $0x2800  }
0x14a: {  	[sflag:s19] =	ssyncset.done $0x0  }
0x14b: {  	s7 =	rddreg [dreg:$0xc];
	[sflag:s19] =	ssyncadd.s32 $0xFFFFD800  }
0x14c: {  	[tilespmem:s13], [sflag:$0x2] =	stream.indirect.gather [hbm4b:s2+s12], $0x80, s7, s12, $0xb8;
	[tilespmem:$0x1D0C0] =	vst v63  }
0x14d: {  	_ =	swait.ge [sflag:s14], $0x2800  }
0x14e: {  	[sflag:s14] =	ssyncset.done $0x0  }
0x14f: {  	s7 =	rddreg [dreg:$0xd];
	[sflag:s14] =	ssyncadd.s32 $0xFFFFD800  }
0x150: {  	[spmem:s3] =	stream.indirect.scatter.add.f32 [tilespmem:s9], [sflag:$0x4], $0x80, s7, s12, $0xb8;
	[tilespmem:$0x1D0C0] =	vst v63  }
0x151: {  	_ =	swait.ge [sflag:s20], $0x2800  }
0x152: {  	[sflag:s20] =	ssyncset.done $0x0  }
0x153: {  	s7 =	rddreg [dreg:$0xe];
	[sflag:s20] =	ssyncadd.s32 $0xFFFFD800  }
0x154: {  	[tilespmem:s15], [sflag:$0x3] =	stream.indirect.gather [hbm4b:s2+s12], $0x80, s7, s12, $0xb8;
	[tilespmem:$0x1D0C0] =	vst v63  }
0x155: {  	_ =	swait.ge [sflag:s16], $0x2800  }
0x156: {  	[sflag:s16] =	ssyncset.done $0x0  }
0x157: {  	s7 =	rddreg [dreg:$0xf];
	[sflag:s16] =	ssyncadd.s32 $0xFFFFD800  }
0x158: {  	[spmem:s3] =	stream.indirect.scatter.add.f32 [tilespmem:s13], [sflag:$0x5], $0x80, s7, s12, $0xb8;
	[tilespmem:$0x1D0C0] =	vst v63  }
0x159: {  	_ =	swait.ge [sflag:s17], $0x2800  }
0x15a: {  	[sflag:s17] =	ssyncset.done $0x0  }
0x15b: {  	s7 =	rddreg [dreg:$0x10];
	[sflag:s17] =	ssyncadd.s32 $0xFFFFD800  }
0x15c: {  	[tilespmem:s9], [sflag:$0x1] =	stream.indirect.gather [hbm4b:s2+s12], $0x80, s7, s12, $0xb8;
	[tilespmem:$0x1D0C0] =	vst v63  }
0x15d: {  	_ =	swait.ge [sflag:s18], $0x2800  }
0x15e: {  	[sflag:s18] =	ssyncset.done $0x0  }
0x15f: {  	s7 =	rddreg [dreg:$0x11];
	[sflag:s18] =	ssyncadd.s32 $0xFFFFD800  }
0x160: {  	[spmem:s3] =	stream.indirect.scatter.add.f32 [tilespmem:s15], [sflag:$0x6], $0x80, s7, s12, $0xb8;
	[tilespmem:$0x1D0C0] =	vst v63  }
0x161: {  	_ =	swait.ge [sflag:s19], $0x2800  }
0x162: {  	[sflag:s19] =	ssyncset.done $0x0  }
0x163: {  	s7 =	rddreg [dreg:$0x12];
	[sflag:s19] =	ssyncadd.s32 $0xFFFFD800  }
0x164: {  	[tilespmem:s13], [sflag:$0x2] =	stream.indirect.gather [hbm4b:s2+s12], $0x80, s7, s12, $0xb8;
	[tilespmem:$0x1D0C0] =	vst v63  }
0x165: {  	_ =	swait.ge [sflag:s14], $0x2800  }
0x166: {  	[sflag:s14] =	ssyncset.done $0x0  }
0x167: {  	s7 =	rddreg [dreg:$0x13];
	[sflag:s14] =	ssyncadd.s32 $0xFFFFD800  }
0x168: {  	[spmem:s3] =	stream.indirect.scatter.add.f32 [tilespmem:s9], [sflag:$0x4], $0x80, s7, s12, $0xb8;
	[tilespmem:$0x1D0C0] =	vst v63  }
0x169: {  	_ =	swait.ge [sflag:s20], $0x2800  }
0x16a: {  	[sflag:s20] =	ssyncset.done $0x0  }
0x16b: {  	s7 =	rddreg [dreg:$0x14];
	[sflag:s20] =	ssyncadd.s32 $0xFFFFD800  }
0x16c: {  	[tilespmem:s15], [sflag:$0x3] =	stream.indirect.gather [hbm4b:s2+s12], $0x80, s7, s12, $0xb8;
	[tilespmem:$0x1D0C0] =	vst v63  }
0x16d: {  	_ =	swait.ge [sflag:s16], $0x2800  }
0x16e: {  	[sflag:s16] =	ssyncset.done $0x0  }
0x16f: {  	s7 =	rddreg [dreg:$0x15];
	[sflag:s16] =	ssyncadd.s32 $0xFFFFD800  }
0x170: {  	[spmem:s3] =	stream.indirect.scatter.add.f32 [tilespmem:s13], [sflag:$0x5], $0x80, s7, s12, $0xb8;
	[tilespmem:$0x1D0C0] =	vst v63  }
0x171: {  	_ =	swait.ge [sflag:s17], $0x2800  }
0x172: {  	[sflag:s17] =	ssyncset.done $0x0  }
0x173: {  	s7 =	rddreg [dreg:$0x16];
	[sflag:s17] =	ssyncadd.s32 $0xFFFFD800  }
0x174: {  	[tilespmem:s9], [sflag:$0x1] =	stream.indirect.gather [hbm4b:s2+s12], $0x80, s7, s12, $0xb8;
	[tilespmem:$0x1D0C0] =	vst v63  }
0x175: {  	_ =	swait.ge [sflag:s18], $0x2800  }
0x176: {  	[sflag:s18] =	ssyncset.done $0x0  }
0x177: {  	s7 =	rddreg [dreg:$0x17];
	[sflag:s18] =	ssyncadd.s32 $0xFFFFD800  }
0x178: {  	[spmem:s3] =	stream.indirect.scatter.add.f32 [tilespmem:s15], [sflag:$0x6], $0x80, s7, s12, $0xb8;
	[tilespmem:$0x1D0C0] =	vst v63  }
0x179: {  	_ =	swait.ge [sflag:s19], $0x2800  }
0x17a: {  	[sflag:s19] =	ssyncset.done $0x0  }
0x17b: {  	s7 =	rddreg [dreg:$0x18];
	[sflag:s19] =	ssyncadd.s32 $0xFFFFD800  }
0x17c: {  	[tilespmem:s13], [sflag:$0x2] =	stream.indirect.gather [hbm4b:s2+s12], $0x80, s7, s12, $0xb8;
	[tilespmem:$0x1D0C0] =	vst v63  }
0x17d: {  	_ =	swait.ge [sflag:s14], $0x2800  }
0x17e: {  	[sflag:s14] =	ssyncset.done $0x0  }
0x17f: {  	s7 =	rddreg [dreg:$0x19];
	[sflag:s14] =	ssyncadd.s32 $0xFFFFD800  }
0x180: {  	[spmem:s3] =	stream.indirect.scatter.add.f32 [tilespmem:s9], [sflag:$0x4], $0x80, s7, s12, $0xb8;
	[tilespmem:$0x1D0C0] =	vst v63  }
0x181: {  	_ =	swait.ge [sflag:s20], $0x2800  }
0x182: {  	[sflag:s20] =	ssyncset.done $0x0  }
0x183: {  	s7 =	rddreg [dreg:$0x1a];
	[sflag:s20] =	ssyncadd.s32 $0xFFFFD800  }
0x184: {  	[tilespmem:s15], [sflag:$0x3] =	stream.indirect.gather [hbm4b:s2+s12], $0x80, s7, s12, $0xb8;
	[tilespmem:$0x1D0C0] =	vst v63  }
0x185: {  	_ =	swait.ge [sflag:s16], $0x2800  }
0x186: {  	[sflag:s16] =	ssyncset.done $0x0  }
0x187: {  	s7 =	rddreg [dreg:$0x1b];
	[sflag:s16] =	ssyncadd.s32 $0xFFFFD800  }
0x188: {  	[spmem:s3] =	stream.indirect.scatter.add.f32 [tilespmem:s13], [sflag:$0x5], $0x80, s7, s12, $0xb8;
	[tilespmem:$0x1D0C0] =	vst v63  }
0x189: {  	_ =	swait.ge [sflag:s17], $0x2800  }
0x18a: {  	[sflag:s17] =	ssyncset.done $0x0  }
0x18b: {  	s7 =	rddreg [dreg:$0x1c];
	[sflag:s17] =	ssyncadd.s32 $0xFFFFD800  }
0x18c: {  	[tilespmem:s9], [sflag:$0x1] =	stream.indirect.gather [hbm4b:s2+s12], $0x80, s7, s12, $0xb8;
	[tilespmem:$0x1D0C0] =	vst v63  }
0x18d: {  	_ =	swait.ge [sflag:s18], $0x2800  }
0x18e: {  	[sflag:s18] =	ssyncset.done $0x0  }
0x18f: {  	s7 =	rddreg [dreg:$0x1d];
	[sflag:s18] =	ssyncadd.s32 $0xFFFFD800  }
0x190: {  	[spmem:s3] =	stream.indirect.scatter.add.f32 [tilespmem:s15], [sflag:$0x6], $0x80, s7, s12, $0xb8;
	[tilespmem:$0x1D0C0] =	vst v63  }
0x191: {  	_ =	swait.ge [sflag:s19], $0x2800  }
0x192: {  	[sflag:s19] =	ssyncset.done $0x0  }
0x193: {  	s7 =	rddreg [dreg:$0x1e];
	[sflag:s19] =	ssyncadd.s32 $0xFFFFD800  }
0x194: {  	[tilespmem:s13], [sflag:$0x2] =	stream.indirect.gather [hbm4b:s2+s12], $0x80, s7, s12, $0xb8;
	[tilespmem:$0x1D0C0] =	vst v63  }
0x195: {  	_ =	swait.ge [sflag:s14], $0x2800  }
0x196: {  	[sflag:s14] =	ssyncset.done $0x0  }
0x197: {  	s7 =	rddreg [dreg:$0x1f];
	[sflag:s14] =	ssyncadd.s32 $0xFFFFD800  }
0x198: {  	[spmem:s3] =	stream.indirect.scatter.add.f32 [tilespmem:s9], [sflag:$0x4], $0x80, s7, s12, $0xb8;
	[tilespmem:$0x1D0C0] =	vst v63  }
0x199: {  	_ =	swait.ge [sflag:s20], $0x2800  }
0x19a: {  	s7 =	sld [smem:$0x7F2]  }
0x19b: {  	[sflag:s20] =	ssyncset.done $0x0  }
0x19c: {  	[sflag:s20] =	ssyncadd.s32 $0xFFFFD800  }
0x19d: {  	[tilespmem:s15], [sflag:$0x3] =	stream.indirect.gather [hbm4b:s2+s12], $0x80, s7, s12, $0xb8;
	[tilespmem:$0x1D0C0] =	vst v63  }
0x19e: {  	_ =	swait.ge [sflag:s16], $0x2800  }
0x19f: {  	s7 =	sld [smem:$0x7F3]  }
0x1a0: {  	[sflag:s16] =	ssyncset.done $0x0  }
0x1a1: {  	[sflag:s16] =	ssyncadd.s32 $0xFFFFD800  }
0x1a2: {  	[spmem:s3] =	stream.indirect.scatter.add.f32 [tilespmem:s13], [sflag:$0x5], $0x80, s7, s12, $0xb8;
	[tilespmem:$0x1D0C0] =	vst v63  }
0x1a3: {  	_ =	swait.ge [sflag:s17], $0x2800  }
0x1a4: {  	s7 =	sld [smem:$0x7F4]  }
0x1a5: {  	[sflag:s17] =	ssyncset.done $0x0  }
0x1a6: {  	[sflag:s17] =	ssyncadd.s32 $0xFFFFD800  }
0x1a7: {  	[tilespmem:s9], [sflag:$0x1] =	stream.indirect.gather [hbm4b:s2+s12], $0x80, s7, s12, $0xb8;
	[tilespmem:$0x1D0C0] =	vst v63  }
0x1a8: {  	_ =	swait.ge [sflag:s18], $0x2800  }
0x1a9: {  	s7 =	sld [smem:$0x7F5]  }
0x1aa: {  	[sflag:s18] =	ssyncset.done $0x0  }
0x1ab: {  	[sflag:s18] =	ssyncadd.s32 $0xFFFFD800  }
0x1ac: {  	[spmem:s3] =	stream.indirect.scatter.add.f32 [tilespmem:s15], [sflag:$0x6], $0x80, s7, s12, $0xb8;
	[tilespmem:$0x1D0C0] =	vst v63  }
0x1ad: {  	_ =	swait.ge [sflag:s19], $0x2800  }
0x1ae: {  	s7 =	sld [smem:$0x7F6]  }
0x1af: {  	[sflag:s19] =	ssyncset.done $0x0  }
0x1b0: {  	[sflag:s19] =	ssyncadd.s32 $0xFFFFD800  }
0x1b1: {  	[tilespmem:s13], [sflag:$0x2] =	stream.indirect.gather [hbm4b:s2+s12], $0x80, s7, s12, $0xb8;
	[tilespmem:$0x1D0C0] =	vst v63  }
0x1b2: {  	_ =	swait.ge [sflag:s14], $0x2800  }
0x1b3: {  	s7 =	sld [smem:$0x7F7]  }
0x1b4: {  	[sflag:s14] =	ssyncset.done $0x0  }
0x1b5: {  	[sflag:s14] =	ssyncadd.s32 $0xFFFFD800  }
0x1b6: {  	[spmem:s3] =	stream.indirect.scatter.add.f32 [tilespmem:s9], [sflag:$0x4], $0x80, s7, s12, $0xb8;
	[tilespmem:$0x1D0C0] =	vst v63  }
0x1b7: {  	_ =	swait.ge [sflag:s20], $0x2800  }
0x1b8: {  	s7 =	sld [smem:$0x7F8]  }
0x1b9: {  	[sflag:s20] =	ssyncset.done $0x0  }
0x1ba: {  	[sflag:s20] =	ssyncadd.s32 $0xFFFFD800  }
0x1bb: {  	[tilespmem:s15], [sflag:$0x3] =	stream.indirect.gather [hbm4b:s2+s12], $0x80, s7, s12, $0xb8;
	[tilespmem:$0x1D0C0] =	vst v63  }
0x1bc: {  	_ =	swait.ge [sflag:s16], $0x2800  }
0x1bd: {  	s7 =	sld [smem:$0x7F9]  }
0x1be: {  	[sflag:s16] =	ssyncset.done $0x0  }
0x1bf: {  	[sflag:s16] =	ssyncadd.s32 $0xFFFFD800  }
0x1c0: {  	[spmem:s3] =	stream.indirect.scatter.add.f32 [tilespmem:s13], [sflag:$0x5], $0x80, s7, s12, $0xb8;
	[tilespmem:$0x1D0C0] =	vst v63  }
0x1c1: {  	_ =	swait.ge [sflag:s17], $0x2800  }
0x1c2: {  	s7 =	sld [smem:$0x7FA]  }
0x1c3: {  	[sflag:s17] =	ssyncset.done $0x0  }
0x1c4: {  	[sflag:s17] =	ssyncadd.s32 $0xFFFFD800  }
0x1c5: {  	[tilespmem:s9], [sflag:$0x1] =	stream.indirect.gather [hbm4b:s2+s12], $0x80, s7, s12, $0xb8;
	[tilespmem:$0x1D0C0] =	vst v63  }
0x1c6: {  	_ =	swait.ge [sflag:s18], $0x2800  }
0x1c7: {  	s7 =	sld [smem:$0x7FB]  }
0x1c8: {  	[sflag:s18] =	ssyncset.done $0x0  }
0x1c9: {  	[sflag:s18] =	ssyncadd.s32 $0xFFFFD800  }
0x1ca: {  	[spmem:s3] =	stream.indirect.scatter.add.f32 [tilespmem:s15], [sflag:$0x6], $0x80, s7, s12, $0xb8;
	[tilespmem:$0x1D0C0] =	vst v63  }
0x1cb: {  	_ =	swait.ge [sflag:s19], $0x2800  }
0x1cc: {  	s7 =	sld [smem:$0x7FC]  }
0x1cd: {  	[sflag:s19] =	ssyncset.done $0x0  }
0x1ce: {  	[sflag:s19] =	ssyncadd.s32 $0xFFFFD800  }
0x1cf: {  	[tilespmem:s13], [sflag:$0x2] =	stream.indirect.gather [hbm4b:s2+s12], $0x80, s7, s12, $0xb8;
	[tilespmem:$0x1D0C0] =	vst v63  }
0x1d0: {  	_ =	swait.ge [sflag:s14], $0x2800  }
0x1d1: {  	[sflag:s14] =	ssyncset.done $0x0  }
0x1d2: {  	[sflag:s14] =	ssyncadd.s32 $0xFFFFD800  }
0x1d3: {  	[spmem:s3] =	stream.indirect.scatter.add.f32 [tilespmem:s9], [sflag:$0x4], $0x80, s21, s12, $0xb8;
	[tilespmem:$0x1D0C0] =	vst v63  }
0x1d4: {  	_ =	swait.ge [sflag:s20], $0x2800  }
0x1d5: {  	[sflag:s20] =	ssyncset.done $0x0  }
0x1d6: {  	[sflag:s20] =	ssyncadd.s32 $0xFFFFD800  }
0x1d7: {  	[tilespmem:s15], [sflag:$0x3] =	stream.indirect.gather [hbm4b:s2+s12], $0x80, s22, s12, $0xb8;
	[tilespmem:$0x1D0C0] =	vst v63  }
0x1d8: {  	_ =	swait.ge [sflag:s16], $0x2800  }
0x1d9: {  	[sflag:s16] =	ssyncset.done $0x0  }
0x1da: {  	[sflag:s16] =	ssyncadd.s32 $0xFFFFD800  }
0x1db: {  	[spmem:s3] =	stream.indirect.scatter.add.f32 [tilespmem:s13], [sflag:$0x5], $0x80, s23, s12, $0xb8;
	[tilespmem:$0x1D0C0] =	vst v63  }
0x1dc: {  	_ =	swait.ge [sflag:s17], $0x2800  }
0x1dd: {  	[sflag:s17] =	ssyncset.done $0x0  }
0x1de: {  	[sflag:s17] =	ssyncadd.s32 $0xFFFFD800  }
0x1df: {  	[tilespmem:s9], [sflag:$0x1] =	stream.indirect.gather [hbm4b:s2+s12], $0x80, s24, s12, $0xb8;
	[tilespmem:$0x1D0C0] =	vst v63  }
0x1e0: {  	_ =	swait.ge [sflag:s18], $0x2800  }
0x1e1: {  	[sflag:s18] =	ssyncset.done $0x0  }
0x1e2: {  	[sflag:s18] =	ssyncadd.s32 $0xFFFFD800  }
0x1e3: {  	[spmem:s3] =	stream.indirect.scatter.add.f32 [tilespmem:s15], [sflag:$0x6], $0x80, s25, s12, $0xb8;
	[tilespmem:$0x1D0C0] =	vst v63  }
0x1e4: {  	_ =	swait.ge [sflag:s19], $0x2800  }
0x1e5: {  	[sflag:s19] =	ssyncset.done $0x0  }
0x1e6: {  	[sflag:s19] =	ssyncadd.s32 $0xFFFFD800  }
0x1e7: {  	[tilespmem:s13], [sflag:$0x2] =	stream.indirect.gather [hbm4b:s2+s12], $0x80, s26, s12, $0xb8;
	[tilespmem:$0x1D0C0] =	vst v63  }
0x1e8: {  	_ =	swait.ge [sflag:s14], $0x2800  }
0x1e9: {  	[sflag:s14] =	ssyncset.done $0x0  }
0x1ea: {  	[sflag:s14] =	ssyncadd.s32 $0xFFFFD800  }
0x1eb: {  	[spmem:s3] =	stream.indirect.scatter.add.f32 [tilespmem:s9], [sflag:$0x4], $0x80, s28, s12, $0xb8;
	[tilespmem:$0x1D0C0] =	vst v63  }
0x1ec: {  	_ =	swait.ge [sflag:s20], $0x2800  }
0x1ed: {  	[sflag:s20] =	ssyncset.done $0x0  }
0x1ee: {  	[sflag:s20] =	ssyncadd.s32 $0xFFFFD800  }
0x1ef: {  	[tilespmem:s15], [sflag:$0x3] =	stream.indirect.gather [hbm4b:s2+s12], $0x80, s29, s12, $0xb8;
	[tilespmem:$0x1D0C0] =	vst v63  }
0x1f0: {  	_ =	swait.ge [sflag:s16], $0x2800  }
0x1f1: {  	[sflag:s16] =	ssyncset.done $0x0  }
0x1f2: {  	[sflag:s16] =	ssyncadd.s32 $0xFFFFD800  }
0x1f3: {  	[spmem:s3] =	stream.indirect.scatter.add.f32 [tilespmem:s13], [sflag:$0x5], $0x80, s30, s12, $0xb8;
	[tilespmem:$0x1D0C0] =	vst v63  }
0x1f4: {  	_ =	swait.ge [sflag:s17], $0x2800  }
0x1f5: {  	[sflag:s17] =	ssyncset.done $0x0  }
0x1f6: {  	[sflag:s17] =	ssyncadd.s32 $0xFFFFD800  }
0x1f7: {  	[tilespmem:s9], [sflag:$0x1] =	stream.indirect.gather [hbm4b:s2+s12], $0x80, s31, s12, $0xb8;
	[tilespmem:$0x1D0C0] =	vst v63  }
0x1f8: {  	_ =	swait.ge [sflag:s18], $0x2800  }
0x1f9: {  	[sflag:s18] =	ssyncset.done $0x0  }
0x1fa: {  	[sflag:s18] =	ssyncadd.s32 $0xFFFFD800  }
0x1fb: {  	[spmem:s3] =	stream.indirect.scatter.add.f32 [tilespmem:s15], [sflag:$0x6], $0x80, s1, s12, $0xb8;
	[tilespmem:$0x1D0C0] =	vst v63  }
0x1fc: {  	_ =	swait.ge [sflag:s14], $0x2800  }
0x1fd: {  	[sflag:s14] =	ssyncset.done $0x0  }
0x1fe: {  	[sflag:s14] =	ssyncadd.s32 $0xFFFFD800  }
0x1ff: {  	[spmem:s3] =	stream.indirect.scatter.add.f32 [tilespmem:s9], [sflag:$0x4], $0x80, s0, s12, $0xb8;
	[tilespmem:$0x1D0C0] =	vst v63  }
0x200: {  	_ =	swait.ge [sflag:s19], $0x2800  }
0x201: {  	[sflag:s19] =	ssyncset.done $0x0  }
0x202: {  	p1 =	sne.s32 s5, $0x800;
	[sflag:s19] =	ssyncadd.s32 $0xFFFFD800  }
.Ltmp3:
0x203: {  	_ =	swait.ge [sflag:s20], $0x2800;
	(pc) =	sbr.rel @p1 .LBB2_6-.Ltmp3, $4  }
0x204: {  	[sflag:s20] =	ssyncset.done $0x0  }
0x205: {  	[sflag:s20] =	ssyncadd.s32 $0xFFFFD800  }
0x206: {  	_ =	swait.ge [sflag:s17], $0x2800  }
0x207: {  	s5 =	sadd.s32 $0x200, s5;
	s6 =	rddreg [dreg:$0x6];
	[sflag:s17] =	ssyncset.done $0x0  }
0x208: {  	[sflag:s17] =	ssyncadd.s32 $0xFFFFD800;
	s5 =	sadd.s32 s8, s6  }
0x209: {  	[tilespmem:s4], [sflag:$0x7] =	stream.linear.gather [hbm4b:s5+s4], $0xC80, $0x38;
	[tilespmem:$0x1D0C0] =	vst v63  }
0x20a: {  	_ =	swait.ge [sflag:s10], $0xC80  }
0x20b: {  	s6 =	rddreg [dreg:$0x5];
	[sflag:s10] =	ssyncset.done $0x0  }
0x20c: {  	[sflag:s10] =	ssyncadd.s32 $0xFFFFF380;
	s5 =	sadd.s32 s8, s6  }
0x20d: {  	[tilespmem:s11], [sflag:$0x7] =	stream.linear.gather [hbm4b:s5+s4], $0xC80, $0x38;
	[tilespmem:$0x1D0C0] =	vst v63  }
0x20e: {  	_ =	swait.ge [sflag:s10], $0xC80  }
0x20f: {  	[sflag:s10] =	ssyncset.done $0x0  }
0x210: {  	[sflag:s10] =	ssyncadd.s32 $0xFFFFF380  }
0x211: {  	[tilespmem:s9], [sflag:$0x1] =	stream.indirect.gather [hbm4b:s2+s12], $0x80, s4, s12, $0xb8;
	[tilespmem:$0x1D0C0] =	vst v63  }
0x212: {  	s7 =	rddreg [dreg:$0x7]  }
0x213: {  	[tilespmem:s13], [sflag:$0x2] =	stream.indirect.gather [hbm4b:s2+s12], $0x80, s7, s12, $0xb8;
	[tilespmem:$0x1D0C0] =	vst v63  }
0x214: {  	_ =	swait.ge [sflag:s14], $0x2800  }
0x215: {  	[sflag:s14] =	ssyncset.done $0x0  }
0x216: {  	[sflag:s14] =	ssyncadd.s32 $0xFFFFD800  }
0x217: {  	[spmem:s3] =	stream.indirect.scatter.add.f32 [tilespmem:s9], [sflag:$0x4], $0x80, s11, s12, $0xb8;
	[tilespmem:$0x1D0C0] =	vst v63  }
0x218: {  	s8 =	rddreg [dreg:$0x8]  }
0x219: {  	[tilespmem:s15], [sflag:$0x3] =	stream.indirect.gather [hbm4b:s2+s12], $0x80, s8, s12, $0xb8;
	[tilespmem:$0x1D0C0] =	vst v63  }
0x21a: {  	_ =	swait.ge [sflag:s16], $0x2800  }
0x21b: {  	[sflag:s16] =	ssyncset.done $0x0  }
0x21c: {  	s6 =	rddreg [dreg:$0x9];
	[sflag:s16] =	ssyncadd.s32 $0xFFFFD800  }
0x21d: {  	[spmem:s3] =	stream.indirect.scatter.add.f32 [tilespmem:s13], [sflag:$0x5], $0x80, s6, s12, $0xb8;
	[tilespmem:$0x1D0C0] =	vst v63  }
0x21e: {  	_ =	swait.ge [sflag:s17], $0x2800  }
0x21f: {  	[sflag:s17] =	ssyncset.done $0x0  }
0x220: {  	s7 =	rddreg [dreg:$0xa];
	[sflag:s17] =	ssyncadd.s32 $0xFFFFD800  }
0x221: {  	[tilespmem:s9], [sflag:$0x1] =	stream.indirect.gather [hbm4b:s2+s12], $0x80, s7, s12, $0xb8;
	[tilespmem:$0x1D0C0] =	vst v63  }
0x222: {  	_ =	swait.ge [sflag:s18], $0x2800  }
0x223: {  	[sflag:s18] =	ssyncset.done $0x0  }
0x224: {  	s8 =	rddreg [dreg:$0xb];
	[sflag:s18] =	ssyncadd.s32 $0xFFFFD800  }
0x225: {  	[spmem:s3] =	stream.indirect.scatter.add.f32 [tilespmem:s15], [sflag:$0x6], $0x80, s8, s12, $0xb8;
	[tilespmem:$0x1D0C0] =	vst v63  }
0x226: {  	_ =	swait.ge [sflag:s19], $0x2800  }
0x227: {  	[sflag:s19] =	ssyncset.done $0x0  }
0x228: {  	s6 =	rddreg [dreg:$0xc];
	[sflag:s19] =	ssyncadd.s32 $0xFFFFD800  }
0x229: {  	[tilespmem:s13], [sflag:$0x2] =	stream.indirect.gather [hbm4b:s2+s12], $0x80, s6, s12, $0xb8;
	[tilespmem:$0x1D0C0] =	vst v63  }
0x22a: {  	_ =	swait.ge [sflag:s14], $0x2800  }
0x22b: {  	[sflag:s14] =	ssyncset.done $0x0  }
0x22c: {  	s7 =	rddreg [dreg:$0xd];
	[sflag:s14] =	ssyncadd.s32 $0xFFFFD800  }
0x22d: {  	[spmem:s3] =	stream.indirect.scatter.add.f32 [tilespmem:s9], [sflag:$0x4], $0x80, s7, s12, $0xb8;
	[tilespmem:$0x1D0C0] =	vst v63  }
0x22e: {  	_ =	swait.ge [sflag:s20], $0x2800  }
0x22f: {  	[sflag:s20] =	ssyncset.done $0x0  }
0x230: {  	s8 =	rddreg [dreg:$0xe];
	[sflag:s20] =	ssyncadd.s32 $0xFFFFD800  }
0x231: {  	[tilespmem:s15], [sflag:$0x3] =	stream.indirect.gather [hbm4b:s2+s12], $0x80, s8, s12, $0xb8;
	[tilespmem:$0x1D0C0] =	vst v63  }
0x232: {  	_ =	swait.ge [sflag:s16], $0x2800  }
0x233: {  	[sflag:s16] =	ssyncset.done $0x0  }
0x234: {  	s6 =	rddreg [dreg:$0xf];
	[sflag:s16] =	ssyncadd.s32 $0xFFFFD800  }
0x235: {  	[spmem:s3] =	stream.indirect.scatter.add.f32 [tilespmem:s13], [sflag:$0x5], $0x80, s6, s12, $0xb8;
	[tilespmem:$0x1D0C0] =	vst v63  }
0x236: {  	_ =	swait.ge [sflag:s17], $0x2800  }
0x237: {  	[sflag:s17] =	ssyncset.done $0x0  }
0x238: {  	s7 =	rddreg [dreg:$0x10];
	[sflag:s17] =	ssyncadd.s32 $0xFFFFD800  }
0x239: {  	[tilespmem:s9], [sflag:$0x1] =	stream.indirect.gather [hbm4b:s2+s12], $0x80, s7, s12, $0xb8;
	[tilespmem:$0x1D0C0] =	vst v63  }
0x23a: {  	_ =	swait.ge [sflag:s18], $0x2800  }
0x23b: {  	[sflag:s18] =	ssyncset.done $0x0  }
0x23c: {  	s8 =	rddreg [dreg:$0x11];
	[sflag:s18] =	ssyncadd.s32 $0xFFFFD800  }
0x23d: {  	[spmem:s3] =	stream.indirect.scatter.add.f32 [tilespmem:s15], [sflag:$0x6], $0x80, s8, s12, $0xb8;
	[tilespmem:$0x1D0C0] =	vst v63  }
0x23e: {  	_ =	swait.ge [sflag:s19], $0x2800  }
0x23f: {  	[sflag:s19] =	ssyncset.done $0x0  }
0x240: {  	s6 =	rddreg [dreg:$0x12];
	[sflag:s19] =	ssyncadd.s32 $0xFFFFD800  }
0x241: {  	[tilespmem:s13], [sflag:$0x2] =	stream.indirect.gather [hbm4b:s2+s12], $0x80, s6, s12, $0xb8;
	[tilespmem:$0x1D0C0] =	vst v63  }
0x242: {  	_ =	swait.ge [sflag:s14], $0x2800  }
0x243: {  	[sflag:s14] =	ssyncset.done $0x0  }
0x244: {  	s7 =	rddreg [dreg:$0x13];
	[sflag:s14] =	ssyncadd.s32 $0xFFFFD800  }
0x245: {  	[spmem:s3] =	stream.indirect.scatter.add.f32 [tilespmem:s9], [sflag:$0x4], $0x80, s7, s12, $0xb8;
	[tilespmem:$0x1D0C0] =	vst v63  }
0x246: {  	_ =	swait.ge [sflag:s20], $0x2800  }
0x247: {  	[sflag:s20] =	ssyncset.done $0x0  }
0x248: {  	s8 =	rddreg [dreg:$0x14];
	[sflag:s20] =	ssyncadd.s32 $0xFFFFD800  }
0x249: {  	[tilespmem:s15], [sflag:$0x3] =	stream.indirect.gather [hbm4b:s2+s12], $0x80, s8, s12, $0xb8;
	[tilespmem:$0x1D0C0] =	vst v63  }
0x24a: {  	_ =	swait.ge [sflag:s16], $0x2800  }
0x24b: {  	[sflag:s16] =	ssyncset.done $0x0  }
0x24c: {  	s6 =	rddreg [dreg:$0x15];
	[sflag:s16] =	ssyncadd.s32 $0xFFFFD800  }
0x24d: {  	[spmem:s3] =	stream.indirect.scatter.add.f32 [tilespmem:s13], [sflag:$0x5], $0x80, s6, s12, $0xb8;
	[tilespmem:$0x1D0C0] =	vst v63  }
0x24e: {  	_ =	swait.ge [sflag:s17], $0x2800  }
0x24f: {  	[sflag:s17] =	ssyncset.done $0x0  }
0x250: {  	s7 =	rddreg [dreg:$0x16];
	[sflag:s17] =	ssyncadd.s32 $0xFFFFD800  }
0x251: {  	[tilespmem:s9], [sflag:$0x1] =	stream.indirect.gather [hbm4b:s2+s12], $0x80, s7, s12, $0xb8;
	[tilespmem:$0x1D0C0] =	vst v63  }
0x252: {  	_ =	swait.ge [sflag:s18], $0x2800  }
0x253: {  	[sflag:s18] =	ssyncset.done $0x0  }
0x254: {  	s8 =	rddreg [dreg:$0x17];
	[sflag:s18] =	ssyncadd.s32 $0xFFFFD800  }
0x255: {  	[spmem:s3] =	stream.indirect.scatter.add.f32 [tilespmem:s15], [sflag:$0x6], $0x80, s8, s12, $0xb8;
	[tilespmem:$0x1D0C0] =	vst v63  }
0x256: {  	_ =	swait.ge [sflag:s19], $0x2800  }
0x257: {  	[sflag:s19] =	ssyncset.done $0x0  }
0x258: {  	s6 =	rddreg [dreg:$0x18];
	[sflag:s19] =	ssyncadd.s32 $0xFFFFD800  }
0x259: {  	[tilespmem:s13], [sflag:$0x2] =	stream.indirect.gather [hbm4b:s2+s12], $0x80, s6, s12, $0xb8;
	[tilespmem:$0x1D0C0] =	vst v63  }
0x25a: {  	_ =	swait.ge [sflag:s14], $0x2800  }
0x25b: {  	[sflag:s14] =	ssyncset.done $0x0  }
0x25c: {  	s7 =	rddreg [dreg:$0x19];
	[sflag:s14] =	ssyncadd.s32 $0xFFFFD800  }
0x25d: {  	[spmem:s3] =	stream.indirect.scatter.add.f32 [tilespmem:s9], [sflag:$0x4], $0x80, s7, s12, $0xb8;
	[tilespmem:$0x1D0C0] =	vst v63  }
0x25e: {  	_ =	swait.ge [sflag:s20], $0x2800  }
0x25f: {  	[sflag:s20] =	ssyncset.done $0x0  }
0x260: {  	s8 =	rddreg [dreg:$0x1a];
	[sflag:s20] =	ssyncadd.s32 $0xFFFFD800  }
0x261: {  	[tilespmem:s15], [sflag:$0x3] =	stream.indirect.gather [hbm4b:s2+s12], $0x80, s8, s12, $0xb8;
	[tilespmem:$0x1D0C0] =	vst v63  }
0x262: {  	_ =	swait.ge [sflag:s16], $0x2800  }
0x263: {  	[sflag:s16] =	ssyncset.done $0x0  }
0x264: {  	s6 =	rddreg [dreg:$0x1b];
	[sflag:s16] =	ssyncadd.s32 $0xFFFFD800  }
0x265: {  	[spmem:s3] =	stream.indirect.scatter.add.f32 [tilespmem:s13], [sflag:$0x5], $0x80, s6, s12, $0xb8;
	[tilespmem:$0x1D0C0] =	vst v63  }
0x266: {  	_ =	swait.ge [sflag:s17], $0x2800  }
0x267: {  	[sflag:s17] =	ssyncset.done $0x0  }
0x268: {  	s7 =	rddreg [dreg:$0x1c];
	[sflag:s17] =	ssyncadd.s32 $0xFFFFD800  }
0x269: {  	[tilespmem:s9], [sflag:$0x1] =	stream.indirect.gather [hbm4b:s2+s12], $0x80, s7, s12, $0xb8;
	[tilespmem:$0x1D0C0] =	vst v63  }
0x26a: {  	_ =	swait.ge [sflag:s18], $0x2800  }
0x26b: {  	[sflag:s18] =	ssyncset.done $0x0  }
0x26c: {  	s8 =	rddreg [dreg:$0x1d];
	[sflag:s18] =	ssyncadd.s32 $0xFFFFD800  }
0x26d: {  	[spmem:s3] =	stream.indirect.scatter.add.f32 [tilespmem:s15], [sflag:$0x6], $0x80, s8, s12, $0xb8;
	[tilespmem:$0x1D0C0] =	vst v63  }
0x26e: {  	_ =	swait.ge [sflag:s19], $0x2800  }
0x26f: {  	[sflag:s19] =	ssyncset.done $0x0  }
0x270: {  	s6 =	rddreg [dreg:$0x1e];
	[sflag:s19] =	ssyncadd.s32 $0xFFFFD800  }
0x271: {  	[tilespmem:s13], [sflag:$0x2] =	stream.indirect.gather [hbm4b:s2+s12], $0x80, s6, s12, $0xb8;
	[tilespmem:$0x1D0C0] =	vst v63  }
0x272: {  	_ =	swait.ge [sflag:s14], $0x2800  }
0x273: {  	[sflag:s14] =	ssyncset.done $0x0  }
0x274: {  	s7 =	rddreg [dreg:$0x1f];
	[sflag:s14] =	ssyncadd.s32 $0xFFFFD800  }
0x275: {  	[spmem:s3] =	stream.indirect.scatter.add.f32 [tilespmem:s9], [sflag:$0x4], $0x80, s7, s12, $0xb8;
	[tilespmem:$0x1D0C0] =	vst v63  }
0x276: {  	_ =	swait.ge [sflag:s20], $0x2800  }
0x277: {  	s8 =	sld [smem:$0x7F2]  }
0x278: {  	[sflag:s20] =	ssyncset.done $0x0  }
0x279: {  	[sflag:s20] =	ssyncadd.s32 $0xFFFFD800  }
0x27a: {  	[tilespmem:s15], [sflag:$0x3] =	stream.indirect.gather [hbm4b:s2+s12], $0x80, s8, s12, $0xb8;
	[tilespmem:$0x1D0C0] =	vst v63  }
0x27b: {  	_ =	swait.ge [sflag:s16], $0x2800  }
0x27c: {  	s6 =	sld [smem:$0x7F3]  }
0x27d: {  	[sflag:s16] =	ssyncset.done $0x0  }
0x27e: {  	[sflag:s16] =	ssyncadd.s32 $0xFFFFD800  }
0x27f: {  	[spmem:s3] =	stream.indirect.scatter.add.f32 [tilespmem:s13], [sflag:$0x5], $0x80, s6, s12, $0xb8;
	[tilespmem:$0x1D0C0] =	vst v63  }
0x280: {  	_ =	swait.ge [sflag:s17], $0x2800  }
0x281: {  	s7 =	sld [smem:$0x7F4]  }
0x282: {  	[sflag:s17] =	ssyncset.done $0x0  }
0x283: {  	[sflag:s17] =	ssyncadd.s32 $0xFFFFD800  }
0x284: {  	[tilespmem:s9], [sflag:$0x1] =	stream.indirect.gather [hbm4b:s2+s12], $0x80, s7, s12, $0xb8;
	[tilespmem:$0x1D0C0] =	vst v63  }
0x285: {  	_ =	swait.ge [sflag:s18], $0x2800  }
0x286: {  	s8 =	sld [smem:$0x7F5]  }
0x287: {  	[sflag:s18] =	ssyncset.done $0x0  }
0x288: {  	[sflag:s18] =	ssyncadd.s32 $0xFFFFD800  }
0x289: {  	[spmem:s3] =	stream.indirect.scatter.add.f32 [tilespmem:s15], [sflag:$0x6], $0x80, s8, s12, $0xb8;
	[tilespmem:$0x1D0C0] =	vst v63  }
0x28a: {  	_ =	swait.ge [sflag:s19], $0x2800  }
0x28b: {  	s6 =	sld [smem:$0x7F6]  }
0x28c: {  	[sflag:s19] =	ssyncset.done $0x0  }
0x28d: {  	[sflag:s19] =	ssyncadd.s32 $0xFFFFD800  }
0x28e: {  	[tilespmem:s13], [sflag:$0x2] =	stream.indirect.gather [hbm4b:s2+s12], $0x80, s6, s12, $0xb8;
	[tilespmem:$0x1D0C0] =	vst v63  }
0x28f: {  	_ =	swait.ge [sflag:s14], $0x2800  }
0x290: {  	s7 =	sld [smem:$0x7F7]  }
0x291: {  	[sflag:s14] =	ssyncset.done $0x0  }
0x292: {  	[sflag:s14] =	ssyncadd.s32 $0xFFFFD800  }
0x293: {  	[spmem:s3] =	stream.indirect.scatter.add.f32 [tilespmem:s9], [sflag:$0x4], $0x80, s7, s12, $0xb8;
	[tilespmem:$0x1D0C0] =	vst v63  }
0x294: {  	_ =	swait.ge [sflag:s20], $0x2800  }
0x295: {  	s8 =	sld [smem:$0x7F8]  }
0x296: {  	[sflag:s20] =	ssyncset.done $0x0  }
0x297: {  	[sflag:s20] =	ssyncadd.s32 $0xFFFFD800  }
0x298: {  	[tilespmem:s15], [sflag:$0x3] =	stream.indirect.gather [hbm4b:s2+s12], $0x80, s8, s12, $0xb8;
	[tilespmem:$0x1D0C0] =	vst v63  }
0x299: {  	_ =	swait.ge [sflag:s16], $0x2800  }
0x29a: {  	s6 =	sld [smem:$0x7F9]  }
0x29b: {  	[sflag:s16] =	ssyncset.done $0x0  }
0x29c: {  	[sflag:s16] =	ssyncadd.s32 $0xFFFFD800  }
0x29d: {  	[spmem:s3] =	stream.indirect.scatter.add.f32 [tilespmem:s13], [sflag:$0x5], $0x80, s6, s12, $0xb8;
	[tilespmem:$0x1D0C0] =	vst v63  }
0x29e: {  	_ =	swait.ge [sflag:s17], $0x2800  }
0x29f: {  	s7 =	sld [smem:$0x7FA]  }
0x2a0: {  	[sflag:s17] =	ssyncset.done $0x0  }
0x2a1: {  	[sflag:s17] =	ssyncadd.s32 $0xFFFFD800  }
0x2a2: {  	[tilespmem:s9], [sflag:$0x1] =	stream.indirect.gather [hbm4b:s2+s12], $0x80, s7, s12, $0xb8;
	[tilespmem:$0x1D0C0] =	vst v63  }
0x2a3: {  	_ =	swait.ge [sflag:s18], $0x2800  }
0x2a4: {  	s8 =	sld [smem:$0x7FB]  }
0x2a5: {  	[sflag:s18] =	ssyncset.done $0x0  }
0x2a6: {  	[sflag:s18] =	ssyncadd.s32 $0xFFFFD800  }
0x2a7: {  	[spmem:s3] =	stream.indirect.scatter.add.f32 [tilespmem:s15], [sflag:$0x6], $0x80, s8, s12, $0xb8;
	[tilespmem:$0x1D0C0] =	vst v63  }
0x2a8: {  	_ =	swait.ge [sflag:s19], $0x2800  }
0x2a9: {  	s6 =	sld [smem:$0x7FC]  }
0x2aa: {  	[sflag:s19] =	ssyncset.done $0x0  }
0x2ab: {  	[sflag:s19] =	ssyncadd.s32 $0xFFFFD800  }
0x2ac: {  	[tilespmem:s13], [sflag:$0x2] =	stream.indirect.gather [hbm4b:s2+s12], $0x80, s6, s12, $0xb8;
	[tilespmem:$0x1D0C0] =	vst v63  }
0x2ad: {  	_ =	swait.ge [sflag:s14], $0x2800  }
0x2ae: {  	[sflag:s14] =	ssyncset.done $0x0  }
0x2af: {  	[sflag:s14] =	ssyncadd.s32 $0xFFFFD800  }
0x2b0: {  	[spmem:s3] =	stream.indirect.scatter.add.f32 [tilespmem:s9], [sflag:$0x4], $0x80, s21, s12, $0xb8;
	[tilespmem:$0x1D0C0] =	vst v63  }
0x2b1: {  	_ =	swait.ge [sflag:s20], $0x2800  }
0x2b2: {  	[sflag:s20] =	ssyncset.done $0x0  }
0x2b3: {  	[sflag:s20] =	ssyncadd.s32 $0xFFFFD800  }
0x2b4: {  	[tilespmem:s15], [sflag:$0x3] =	stream.indirect.gather [hbm4b:s2+s12], $0x80, s22, s12, $0xb8;
	[tilespmem:$0x1D0C0] =	vst v63  }
0x2b5: {  	_ =	swait.ge [sflag:s16], $0x2800  }
0x2b6: {  	[sflag:s16] =	ssyncset.done $0x0  }
0x2b7: {  	[sflag:s16] =	ssyncadd.s32 $0xFFFFD800  }
0x2b8: {  	[spmem:s3] =	stream.indirect.scatter.add.f32 [tilespmem:s13], [sflag:$0x5], $0x80, s23, s12, $0xb8;
	[tilespmem:$0x1D0C0] =	vst v63  }
0x2b9: {  	_ =	swait.ge [sflag:s17], $0x2800  }
0x2ba: {  	[sflag:s17] =	ssyncset.done $0x0  }
0x2bb: {  	[sflag:s17] =	ssyncadd.s32 $0xFFFFD800  }
0x2bc: {  	[tilespmem:s9], [sflag:$0x1] =	stream.indirect.gather [hbm4b:s2+s12], $0x80, s24, s12, $0xb8;
	[tilespmem:$0x1D0C0] =	vst v63  }
0x2bd: {  	_ =	swait.ge [sflag:s18], $0x2800  }
0x2be: {  	[sflag:s18] =	ssyncset.done $0x0  }
0x2bf: {  	[sflag:s18] =	ssyncadd.s32 $0xFFFFD800  }
0x2c0: {  	[spmem:s3] =	stream.indirect.scatter.add.f32 [tilespmem:s15], [sflag:$0x6], $0x80, s25, s12, $0xb8;
	[tilespmem:$0x1D0C0] =	vst v63  }
0x2c1: {  	_ =	swait.ge [sflag:s19], $0x2800  }
0x2c2: {  	[sflag:s19] =	ssyncset.done $0x0  }
0x2c3: {  	[sflag:s19] =	ssyncadd.s32 $0xFFFFD800  }
0x2c4: {  	[tilespmem:s13], [sflag:$0x2] =	stream.indirect.gather [hbm4b:s2+s12], $0x80, s26, s12, $0xb8;
	[tilespmem:$0x1D0C0] =	vst v63  }
0x2c5: {  	_ =	swait.ge [sflag:s14], $0x2800  }
0x2c6: {  	[sflag:s14] =	ssyncset.done $0x0  }
0x2c7: {  	[sflag:s14] =	ssyncadd.s32 $0xFFFFD800  }
0x2c8: {  	[spmem:s3] =	stream.indirect.scatter.add.f32 [tilespmem:s9], [sflag:$0x4], $0x80, s28, s12, $0xb8;
	[tilespmem:$0x1D0C0] =	vst v63  }
0x2c9: {  	_ =	swait.ge [sflag:s20], $0x2800  }
0x2ca: {  	[sflag:s20] =	ssyncset.done $0x0  }
0x2cb: {  	[sflag:s20] =	ssyncadd.s32 $0xFFFFD800  }
0x2cc: {  	[tilespmem:s15], [sflag:$0x3] =	stream.indirect.gather [hbm4b:s2+s12], $0x80, s29, s12, $0xb8;
	[tilespmem:$0x1D0C0] =	vst v63  }
0x2cd: {  	_ =	swait.ge [sflag:s16], $0x2800  }
0x2ce: {  	[sflag:s16] =	ssyncset.done $0x0  }
0x2cf: {  	[sflag:s16] =	ssyncadd.s32 $0xFFFFD800  }
0x2d0: {  	[spmem:s3] =	stream.indirect.scatter.add.f32 [tilespmem:s13], [sflag:$0x5], $0x80, s30, s12, $0xb8;
	[tilespmem:$0x1D0C0] =	vst v63  }
0x2d1: {  	_ =	swait.ge [sflag:s17], $0x2800  }
0x2d2: {  	[sflag:s17] =	ssyncset.done $0x0  }
0x2d3: {  	[sflag:s17] =	ssyncadd.s32 $0xFFFFD800  }
0x2d4: {  	[tilespmem:s9], [sflag:$0x1] =	stream.indirect.gather [hbm4b:s2+s12], $0x80, s31, s12, $0xb8;
	[tilespmem:$0x1D0C0] =	vst v63  }
0x2d5: {  	_ =	swait.ge [sflag:s18], $0x2800  }
0x2d6: {  	[sflag:s18] =	ssyncset.done $0x0  }
0x2d7: {  	[sflag:s18] =	ssyncadd.s32 $0xFFFFD800  }
0x2d8: {  	[spmem:s3] =	stream.indirect.scatter.add.f32 [tilespmem:s15], [sflag:$0x6], $0x80, s1, s12, $0xb8;
	[tilespmem:$0x1D0C0] =	vst v63  }
0x2d9: {  	_ =	swait.ge [sflag:s14], $0x2800  }
0x2da: {  	[sflag:s14] =	ssyncset.done $0x0  }
0x2db: {  	[sflag:s14] =	ssyncadd.s32 $0xFFFFD800  }
0x2dc: {  	[spmem:s3] =	stream.indirect.scatter.add.f32 [tilespmem:s9], [sflag:$0x4], $0x80, s0, s12, $0xb8;
	[tilespmem:$0x1D0C0] =	vst v63  }
0x2dd: {  	_ =	swait.ge [sflag:s19], $0x2800  }
0x2de: {  	[sflag:s19] =	ssyncset.done $0x0  }
0x2df: {  	[sflag:s19] =	ssyncadd.s32 $0xFFFFD800  }
0x2e0: {  	_ =	swait.ge [sflag:s20], $0x2800  }
0x2e1: {  	[sflag:s20] =	ssyncset.done $0x0  }
0x2e2: {  	[sflag:s20] =	ssyncadd.s32 $0xFFFFD800  }
0x2e3: {  	_ =	swait.ge [sflag:s17], $0x2800  }
0x2e4: {  	[sflag:s17] =	ssyncset.done $0x0  }
0x2e5: {  	[sflag:s17] =	ssyncadd.s32 $0xFFFFD800  }
0x2e6: {  	s7 =	stileid.u32;
	[bflag:$0x0] =	sbarrier.arrive $0xFFFF  }
0x2e7: {  	s5 =	sshll.u32 s7, $0x6;
	s7 =	sld [smem:$0x7F0]  }
0x2e8: {  	s21 =	sld [smem:$0x7F1];
	_ =	sdelay $0x1  }
0x2e9: {  	s5 =	sor.u32 $0x1C07, s5;
	s8 =	sshrl.u32 s7, $0x3  }
0x2ea: {  	[hbm:s21], [sflag:s5] =	dma.local [spmem:s8], $0x500  }
.Ltmp4:
0x2eb: {  	_ = 	snop;
	(pc) =	sbr.rel @!p0 .LBB2_9-.Ltmp4, $3  }
0x2ec: {  	s6 =	sld [smem:$0x7FD];
	_ =	sdelay $0x1  }
0x2ed: {  	s7 =	sadd.s32 $0x28000, s7  }
0x2ee: {  	_ =	swait.ge [sflag:s10], $0x500;
	s8 =	sadd.s32 $0xFFFFFFFF, s6;
	s6 =	smov.u32 s21  }
.LBB2_8:
0x2ef: {  	[sflag:s10] =	ssyncset.done $0x0;
	s6 =	sadd.s32 $0x5000, s6;
	p0 =	sne.s32 s8, $0x1  }
.Ltmp5:
0x2f0: {  	s21 =	sshrl.u32 s7, $0x3;
	[sflag:s10] =	ssyncadd.s32 $0xFFFFFB00;
	(pc) =	sbr.rel @p0 .LBB2_8-.Ltmp5, $3  }
0x2f1: {  	[hbm:s6], [sflag:s5] =	dma.local [spmem:s21], $0x500  }
0x2f2: {  	s8 =	sadd.s32 $0xFFFFFFFF, s8;
	_ =	sdelay $0x1  }
0x2f3: {  	s7 =	sadd.s32 $0x28000, s7;
	_ =	swait.ge [sflag:s10], $0x500  }
.LBB2_9:
0x2f4: {  	s6 =	sld [smem:$0x7EE]  }
0x2f5: {  	s5 =	sld [smem:$0x7EF];
	_ =	sdelay $0x1  }
0x2f6: {  	s6 =	sadd.s32 $0x1, s6  }
0x2f7: {  	p0 =	sne.s32 s6, s5  }
.Ltmp6:
0x2f8: {  	_ = 	snop;
	(pc) =	sbr.rel @p0 .LBB2_1-.Ltmp6, $3  }
0x2f9: {  	_ =	sdelay $0x1  }
0x2fa: {  	[sflag:s10] =	ssyncset.done $0x0  }
0x2fb: {  	s7 =	sld [smem:$0x7FD];
	s21 =	simm.s32 $0x1900;
	[sflag:s10] =	ssyncadd.s32 $0xFFFFFB00  }
0x2fc: {  	_ =	sfence.sel $0x180000  }
0x2fd: {  	[bflag:$0x0] =	sbarrier.arrive $0xFFFF  }
0x2fe: {  	_ =	strace $0x90000047  }
0x2ff: {  	s0 =	stileid.u32;
	[bflag:$0x2] =	sbarrier.arrive $0xFFFF  }
0x300: {  	p0 =	sne.s32 s0, $0x0;
	s0 =	rddreg [dreg:$0x4]  }
0x301: {  	s0 =	sadd.s32 @!p0 $0x100000, s0  }
0x302: {  	[sflag:s0] =	ssyncadd.tile.s32 @!p0 $0x1;
	_ =	shalt  }
.Lfunc_end2:
_tile_overlayer_lowered:
.L_overlay_start_2:
0x303: {  	(tag) =	ssettag $0x2  }
0x304: {  	s0 =	rddreg [dreg:$0x0];
	s2 =	stileid.u32  }
0x305: {  	s1 =	rddreg [dreg:$0x1];
	p0 =	sne.s32 s2, $0x0  }
0x306: {  	s3 =	rddreg [dreg:$0x2];
	[bflag:$0x3] =	sbarrier.arrive $0xFFFF;
	s2 =	simm.s32 @!p0 $0x1C07  }
0x307: {  	[timem:s3], [sflag:s2] =	dma.local @!p0 [hbm:s0], s1  }
0x308: {  	s0 =	simm.s32 @!p0 $0x7  }
0x309: {  	_ =	swait.ge @!p0 [sflag:s0], s1  }
0x30a: {  	s1 =	ssub.s32 @!p0 $0x0, s1;
	[sflag:s0] =	ssyncset.done @!p0 $0x0  }
0x30b: {  	[sflag:s0] =	ssyncadd.s32 @!p0 s1  }
0x30c: {  	[bflag:$0x3] =	sbarrier.arrive $0xFFFF  }
0x30d: {  	_ =	shalt  }

</sc_bundles>
